<compile_context>
chip_gen: v7x
topology: tpu7x:2x2x1
jax: 0.10.2.dev20260603
libtpu: 0.0.44.dev20260713+nightly
codegen_flags: <defaults>
</compile_context>

<pallas_src>
import functools

import jax
import jax.numpy as jnp
from jax import lax
from jax.experimental import pallas as pl
from jax.experimental.pallas import tpu as pltpu
from jax.experimental.pallas import tpu_sc as plsc

N_NODES = 100000
B = 2048
D = 128
HIDDEN = 64
OUT_DIM = 2

NC = 2
NS = 16
NW = NC * NS
CHUNK = 200
NCHUNKS = N_NODES // CHUNK
BASE_PER_W = NCHUNKS // NW
EXTRA = NCHUNKS - BASE_PER_W * NW
MAXC = BASE_PER_W + 1
NBUF = 4
SEG_PER_TILE = B // NS
ZROWS = 8


def _sc_segment_sum(x, idx):
    mesh = plsc.VectorSubcoreMesh(core_axis_name="c", subcore_axis_name="s")

    @functools.partial(
        pl.kernel,
        mesh=mesh,
        out_type=jax.ShapeDtypeStruct((NC, B, D), jnp.float32),
        scratch_types=[
            pltpu.VMEM((NBUF, CHUNK, D), jnp.float32),
            pltpu.VMEM((CHUNK,), jnp.int32),
            pltpu.VMEM((CHUNK,), jnp.int32),
            pltpu.VMEM((CHUNK,), jnp.int32),
            pltpu.VMEM((CHUNK,), jnp.int32),
            pltpu.VMEM((ZROWS, D), jnp.float32),
            pltpu.VMEM_SHARED((B, D), jnp.float32),
            pltpu.SemaphoreType.DMA,
            pltpu.SemaphoreType.DMA,
            pltpu.SemaphoreType.DMA,
            pltpu.SemaphoreType.DMA,
            pltpu.SemaphoreType.DMA,
            pltpu.SemaphoreType.DMA,
            pltpu.SemaphoreType.DMA,
            pltpu.SemaphoreType.DMA,
        ],
    )
    def seg_sum(x_hbm, idx_hbm, out_hbm, rows_v, idx_v0, idx_v1, idx_v2,
                idx_v3, zero_v, acc_sh, g0, g1, g2, g3, s0, s1, s2, s3):
        c = lax.axis_index("c")
        s = lax.axis_index("s")
        wid = s * NC + c
        gsems = (g0, g1, g2, g3)
        ssems = (s0, s1, s2, s3)
        idx_bufs = (idx_v0, idx_v1, idx_v2, idx_v3)

        first = BASE_PER_W * wid + jnp.minimum(wid, EXTRA)
        count = jnp.where(wid < EXTRA, BASE_PER_W + 1, BASE_PER_W)

        def start_g(j, b):
            r0 = (first + j) * CHUNK
            pltpu.async_copy(x_hbm.at[pl.ds(r0, CHUNK)], rows_v.at[b], gsems[b])
            pltpu.async_copy(idx_hbm.at[pl.ds(r0, CHUNK)], idx_bufs[b], gsems[b])

        def wait_g(b):
            pltpu.make_async_copy(
                x_hbm.at[pl.ds(0, CHUNK)], rows_v.at[b], gsems[b]).wait()
            pltpu.make_async_copy(
                idx_hbm.at[pl.ds(0, CHUNK)], idx_bufs[b], gsems[b]).wait()

        def start_s(b):
            pltpu.async_copy(rows_v.at[b], acc_sh.at[idx_bufs[b]], ssems[b],
                             add=True)

        def wait_s(b):
            pltpu.make_async_copy(
                rows_v.at[b], acc_sh.at[idx_bufs[b]], ssems[b]).wait()

        for b in range(NBUF):
            start_g(b, b)

        zvec = jnp.zeros((16,), jnp.float32)

        def zero_row(r, _):
            for j in range(D // 16):
                zero_v[r, pl.ds(j * 16, 16)] = zvec
            return 0

        lax.fori_loop(0, ZROWS, zero_row, 0)

        def zero_slice(i, _):
            pltpu.sync_copy(
                zero_v, acc_sh.at[pl.ds(s * SEG_PER_TILE + i * ZROWS, ZROWS)])
            return 0

        lax.fori_loop(0, SEG_PER_TILE // ZROWS, zero_slice, 0)
        plsc.subcore_barrier()

        def group(gi, _):
            for u in range(NBUF):
                j = NBUF * gi + u

                def sub(u=u, j=j):
                    wait_g(u)
                    start_s(u)

                    def after_first():
                        wait_s((u - 1) % NBUF)
                        jn = j + NBUF - 1
                        pl.when(jn < count)(
                            lambda: start_g(jn, (u - 1) % NBUF))

                    pl.when(j >= 1)(after_first)

                pl.when(j < count)(sub)
            return 0

        lax.fori_loop(0, (MAXC + NBUF - 1) // NBUF, group, 0)

        pl.when(count == MAXC)(lambda: wait_s((MAXC - 1) % NBUF))
        pl.when(count == MAXC - 1)(lambda: wait_s((MAXC - 2) % NBUF))
        plsc.subcore_barrier()

        pltpu.sync_copy(
            acc_sh.at[pl.ds(s * SEG_PER_TILE, SEG_PER_TILE)],
            out_hbm.at[c, pl.ds(s * SEG_PER_TILE, SEG_PER_TILE)],
        )

    return seg_sum(x, idx)


def _tc_head(partials, f2d, t2d, W1, b1_2d, W2, b2_2d):

    def head(p_ref, f_ref, t_ref, w1_ref, b1_ref, w2_ref, b2_ref, o_ref):
        xp = p_ref[0] + p_ref[1]
        h = jnp.dot(xp, w1_ref[pl.ds(0, D), :],
                    preferred_element_type=jnp.float32)
        h = h + f_ref[...] * w1_ref[pl.ds(D, 1), :]
        h = h + t_ref[...] * w1_ref[pl.ds(D + 1, 1), :]
        h = h + b1_ref[...]
        h = jnp.where(h >= 0.0, h, 0.01 * h)
        o_ref[...] = jnp.dot(h, w2_ref[...],
                             preferred_element_type=jnp.float32) + b2_ref[...]

    return pl.pallas_call(
        head,
        out_shape=jax.ShapeDtypeStruct((B, 128), jnp.float32),
    )(partials, f2d, t2d, W1, b1_2d, W2, b2_2d)


def kernel(x, edge_index, batch, feature_index, threshold, W1, b1, W2, b2):
    partials = _sc_segment_sum(x, batch.astype(jnp.int32))
    W2p = jnp.pad(W2, ((0, 0), (0, 128 - OUT_DIM)))
    b2p = jnp.pad(b2, (0, 128 - OUT_DIM))
    out = _tc_head(
        partials,
        feature_index[:, None],
        threshold[:, None],
        W1,
        b1[None, :],
        W2p,
        b2p[None, :],
    )
    return out[:, :OUT_DIM]

# --- scband reference (transcript-rebuilt; emitter-appended) ---
"""Pipeline reference for scband-operator-selection-head-11776800326354 (READ-ONLY COPY).

The authoritative reference and input builder live on the scoring server;
editing this copy changes nothing except your own understanding.
"""

import jax, jax.numpy as jnp
import numpy as np

N_NODES = 100000
N_EDGES = 1600000
D_FEAT = 128
B = 2048
HIDDEN = 64
IN_DIM = D_FEAT + 2
OUT_DIM = 2

def setup_inputs(seed: int = 0) -> dict:
    key = jax.random.key(seed)
    ks = jax.random.split(key, 10)
    x = jax.random.normal(ks[0], (N_NODES, D_FEAT), dtype=jnp.float32)
    edge_index = jax.random.randint(ks[1], (2, N_EDGES), 0, N_NODES, dtype=jnp.int64)
    batch = jnp.sort(jax.random.randint(ks[2], (N_NODES,), 0, B, dtype=jnp.int64))
    feature_index = jax.random.uniform(ks[3], (B,), dtype=jnp.float32)
    threshold = jax.random.normal(ks[4], (B,), dtype=jnp.float32)
    # MLP params (n_layers=2): Linear(130->64), LeakyReLU, Linear(64->2)
    lim1 = 1.0 / np.sqrt(IN_DIM)
    W1 = jax.random.uniform(ks[5], (IN_DIM, HIDDEN), minval=-lim1, maxval=lim1, dtype=jnp.float32)
    b1 = jax.random.uniform(ks[6], (HIDDEN,), minval=-lim1, maxval=lim1, dtype=jnp.float32)
    lim2 = 1.0 / np.sqrt(HIDDEN)
    W2 = jax.random.uniform(ks[7], (HIDDEN, OUT_DIM), minval=-lim2, maxval=lim2, dtype=jnp.float32)
    b2 = jax.random.uniform(ks[8], (OUT_DIM,), minval=-lim2, maxval=lim2, dtype=jnp.float32)
    return {"x": x, "edge_index": edge_index, "batch": batch,
            "feature_index": feature_index, "threshold": threshold,
            "W1": W1, "b1": b1, "W2": W2, "b2": b2}

def reference(x, edge_index, batch, feature_index, threshold, W1, b1, W2, b2):
    # backbone = identity (edge_index unused)
    h = x
    # global_add_pool -> segment sum over graph ids
    x_pool = jax.ops.segment_sum(h, batch, num_segments=B)
    feat = jnp.concatenate([x_pool, feature_index[:, None], threshold[:, None]], axis=1)
    # MLP: Linear -> LeakyReLU(0.01) -> Linear
    h1 = feat @ W1 + b1
    h1 = jnp.where(h1 >= 0, h1, 0.01 * h1)
    out = h1 @ W2 + b2
    return out

if __name__ == "__main__":
    import jax
    _d = setup_inputs()
    print(jax.jit(kernel)(*tuple(_d.values())))

</pallas_src>

<mosaic_0001>
#map = affine_map<(d0, d1) -> (0, 0)>
#map1 = affine_map<(d0, d1) -> (0)>
#map2 = affine_map<(d0, d1) -> (0, 0, 0)>
module attributes {stable_mosaic.version = 14 : i64} {
  func.func @seg_sum(%arg0: i32, %arg1: i32, %arg2: memref<100000x128xf32, #tpu.memory_space<hbm>>, %arg3: memref<100000xi32, #tpu.memory_space<hbm>>, %arg4: memref<2x2048x128xf32, #tpu.memory_space<hbm>>, %arg5: memref<4x200x128xf32, #tpu.memory_space<vmem>>, %arg6: memref<200xi32, #tpu.memory_space<vmem>>, %arg7: memref<200xi32, #tpu.memory_space<vmem>>, %arg8: memref<200xi32, #tpu.memory_space<vmem>>, %arg9: memref<200xi32, #tpu.memory_space<vmem>>, %arg10: memref<8x128xf32, #tpu.memory_space<vmem>>, %arg11: memref<2048x128xf32, #tpu.memory_space<vmem_shared>>, %arg12: memref<!tpu.dma_semaphore, #tpu.memory_space<semaphore_mem>>, %arg13: memref<!tpu.dma_semaphore, #tpu.memory_space<semaphore_mem>>, %arg14: memref<!tpu.dma_semaphore, #tpu.memory_space<semaphore_mem>>, %arg15: memref<!tpu.dma_semaphore, #tpu.memory_space<semaphore_mem>>, %arg16: memref<!tpu.dma_semaphore, #tpu.memory_space<semaphore_mem>>, %arg17: memref<!tpu.dma_semaphore, #tpu.memory_space<semaphore_mem>>, %arg18: memref<!tpu.dma_semaphore, #tpu.memory_space<semaphore_mem>>, %arg19: memref<!tpu.dma_semaphore, #tpu.memory_space<semaphore_mem>>) attributes {dimension_semantics = [#tpu.dimension_semantics<core_parallel>, #tpu.dimension_semantics<subcore_parallel>], iteration_bounds = array<i64: 2, 16>, scalar_prefetch = 0 : i64, scratch_operands = 15 : i64, tpu.core_type = #tpu.core_type<sc_vector_subcore>, window_params = [{transform_indices = #map}, {transform_indices = #map1}, {transform_indices = #map2}]} {
    %mul3A = arith.constant 2 : i32
    %mul3A_0 = arith.muli %arg1, %mul3A : i32
    %add3A = arith.addi %mul3A_0, %arg0 : i32
    %mul3A_1 = arith.constant 15 : i32
    %mul3A_2 = arith.muli %mul3A_1, %add3A : i32
    %min3A = arith.constant 20 : i32
    %min3A_3 = arith.minsi %add3A, %min3A : i32
    %add3A_4 = arith.addi %mul3A_2, %min3A_3 : i32
    %lt3A = arith.constant 20 : i32
    %lt3A_5 = arith.cmpi slt, %add3A, %lt3A : i32
    %jit3A = arith.constant 16 : i32
    %jit3A_6 = arith.constant 15 : i32
    %select_n3A = arith.select %lt3A_5, %jit3A, %jit3A_6 : i32
    %add3A_7 = arith.constant 0 : i32
    %add3A_8 = arith.addi %add3A_4, %add3A_7 : i32
    %mul3A_9 = arith.constant 200 : i32
    %mul3A_10 = arith.muli %add3A_8, %mul3A_9 : i32
    %dma_start3A = arith.constant 0 : i32
    %dma_start3A_11 = arith.constant 0 : i32
    %dma_start3A_12 = arith.constant 0 : i32
    %dma_start3A_13 = tpu.memref_slice %arg5[%dma_start3A, %dma_start3A_11, %dma_start3A_12] : memref<4x200x128xf32, #tpu.memory_space<vmem>> -> memref<1x200x128xf32, #tpu.memory_space<vmem>>
    %dma_start3A_14 = tpu.memref_squeeze %dma_start3A_13 : memref<1x200x128xf32, #tpu.memory_space<vmem>> -> memref<200x128xf32, #tpu.memory_space<vmem>>
    %dma_start3A_15 = arith.constant 0 : i32
    %dma_start3A_16 = tpu.memref_slice %arg2[%mul3A_10, %dma_start3A_15] : memref<100000x128xf32, #tpu.memory_space<hbm>> -> memref<200x128xf32, #tpu.memory_space<hbm>>
    %dma_start3A_17 = arith.constant 0 : i32
    %dma_start3A_18 = arith.constant 0 : i32
    %dma_start3A_19 = tpu.memref_slice %arg5[%dma_start3A, %dma_start3A_17, %dma_start3A_18] : memref<4x200x128xf32, #tpu.memory_space<vmem>> -> memref<1x200x128xf32, #tpu.memory_space<vmem>>
    %dma_start3A_20 = tpu.memref_squeeze %dma_start3A_19 : memref<1x200x128xf32, #tpu.memory_space<vmem>> -> memref<200x128xf32, #tpu.memory_space<vmem>>
    %dma_start3A_21 = arith.constant 0 : i32
    %dma_start3A_22 = tpu.memref_slice %arg2[%mul3A_10, %dma_start3A_21] : memref<100000x128xf32, #tpu.memory_space<hbm>> -> memref<200x128xf32, #tpu.memory_space<hbm>>
    tpu.enqueue_dma source(%dma_start3A_22 : memref<200x128xf32, #tpu.memory_space<hbm>>) target(%dma_start3A_20 : memref<200x128xf32, #tpu.memory_space<vmem>>) target_semaphore(%arg12 : memref<!tpu.dma_semaphore, #tpu.memory_space<semaphore_mem>>)
    %dma_start3A_23 = tpu.memref_slice %arg3[%mul3A_10] : memref<100000xi32, #tpu.memory_space<hbm>> -> memref<200xi32, #tpu.memory_space<hbm>>
    %dma_start3A_24 = tpu.memref_slice %arg3[%mul3A_10] : memref<100000xi32, #tpu.memory_space<hbm>> -> memref<200xi32, #tpu.memory_space<hbm>>
    tpu.enqueue_dma source(%dma_start3A_24 : memref<200xi32, #tpu.memory_space<hbm>>) target(%arg6 : memref<200xi32, #tpu.memory_space<vmem>>) target_semaphore(%arg12 : memref<!tpu.dma_semaphore, #tpu.memory_space<semaphore_mem>>)
    %add3A_25 = arith.constant 1 : i32
    %add3A_26 = arith.addi %add3A_4, %add3A_25 : i32
    %mul3A_27 = arith.constant 200 : i32
    %mul3A_28 = arith.muli %add3A_26, %mul3A_27 : i32
    %dma_start3A_29 = arith.constant 1 : i32
    %dma_start3A_30 = arith.constant 0 : i32
    %dma_start3A_31 = arith.constant 0 : i32
    %dma_start3A_32 = tpu.memref_slice %arg5[%dma_start3A_29, %dma_start3A_30, %dma_start3A_31] : memref<4x200x128xf32, #tpu.memory_space<vmem>> -> memref<1x200x128xf32, #tpu.memory_space<vmem>>
    %dma_start3A_33 = tpu.memref_squeeze %dma_start3A_32 : memref<1x200x128xf32, #tpu.memory_space<vmem>> -> memref<200x128xf32, #tpu.memory_space<vmem>>
    %dma_start3A_34 = arith.constant 0 : i32
    %dma_start3A_35 = tpu.memref_slice %arg2[%mul3A_28, %dma_start3A_34] : memref<100000x128xf32, #tpu.memory_space<hbm>> -> memref<200x128xf32, #tpu.memory_space<hbm>>
    %dma_start3A_36 = arith.constant 0 : i32
    %dma_start3A_37 = arith.constant 0 : i32
    %dma_start3A_38 = tpu.memref_slice %arg5[%dma_start3A_29, %dma_start3A_36, %dma_start3A_37] : memref<4x200x128xf32, #tpu.memory_space<vmem>> -> memref<1x200x128xf32, #tpu.memory_space<vmem>>
    %dma_start3A_39 = tpu.memref_squeeze %dma_start3A_38 : memref<1x200x128xf32, #tpu.memory_space<vmem>> -> memref<200x128xf32, #tpu.memory_space<vmem>>
    %dma_start3A_40 = arith.constant 0 : i32
    %dma_start3A_41 = tpu.memref_slice %arg2[%mul3A_28, %dma_start3A_40] : memref<100000x128xf32, #tpu.memory_space<hbm>> -> memref<200x128xf32, #tpu.memory_space<hbm>>
    tpu.enqueue_dma source(%dma_start3A_41 : memref<200x128xf32, #tpu.memory_space<hbm>>) target(%dma_start3A_39 : memref<200x128xf32, #tpu.memory_space<vmem>>) target_semaphore(%arg13 : memref<!tpu.dma_semaphore, #tpu.memory_space<semaphore_mem>>)
    %dma_start3A_42 = tpu.memref_slice %arg3[%mul3A_28] : memref<100000xi32, #tpu.memory_space<hbm>> -> memref<200xi32, #tpu.memory_space<hbm>>
    %dma_start3A_43 = tpu.memref_slice %arg3[%mul3A_28] : memref<100000xi32, #tpu.memory_space<hbm>> -> memref<200xi32, #tpu.memory_space<hbm>>
    tpu.enqueue_dma source(%dma_start3A_43 : memref<200xi32, #tpu.memory_space<hbm>>) target(%arg7 : memref<200xi32, #tpu.memory_space<vmem>>) target_semaphore(%arg13 : memref<!tpu.dma_semaphore, #tpu.memory_space<semaphore_mem>>)
    %add3A_44 = arith.constant 2 : i32
    %add3A_45 = arith.addi %add3A_4, %add3A_44 : i32
    %mul3A_46 = arith.constant 200 : i32
    %mul3A_47 = arith.muli %add3A_45, %mul3A_46 : i32
    %dma_start3A_48 = arith.constant 2 : i32
    %dma_start3A_49 = arith.constant 0 : i32
    %dma_start3A_50 = arith.constant 0 : i32
    %dma_start3A_51 = tpu.memref_slice %arg5[%dma_start3A_48, %dma_start3A_49, %dma_start3A_50] : memref<4x200x128xf32, #tpu.memory_space<vmem>> -> memref<1x200x128xf32, #tpu.memory_space<vmem>>
    %dma_start3A_52 = tpu.memref_squeeze %dma_start3A_51 : memref<1x200x128xf32, #tpu.memory_space<vmem>> -> memref<200x128xf32, #tpu.memory_space<vmem>>
    %dma_start3A_53 = arith.constant 0 : i32
    %dma_start3A_54 = tpu.memref_slice %arg2[%mul3A_47, %dma_start3A_53] : memref<100000x128xf32, #tpu.memory_space<hbm>> -> memref<200x128xf32, #tpu.memory_space<hbm>>
    %dma_start3A_55 = arith.constant 0 : i32
    %dma_start3A_56 = arith.constant 0 : i32
    %dma_start3A_57 = tpu.memref_slice %arg5[%dma_start3A_48, %dma_start3A_55, %dma_start3A_56] : memref<4x200x128xf32, #tpu.memory_space<vmem>> -> memref<1x200x128xf32, #tpu.memory_space<vmem>>
    %dma_start3A_58 = tpu.memref_squeeze %dma_start3A_57 : memref<1x200x128xf32, #tpu.memory_space<vmem>> -> memref<200x128xf32, #tpu.memory_space<vmem>>
    %dma_start3A_59 = arith.constant 0 : i32
    %dma_start3A_60 = tpu.memref_slice %arg2[%mul3A_47, %dma_start3A_59] : memref<100000x128xf32, #tpu.memory_space<hbm>> -> memref<200x128xf32, #tpu.memory_space<hbm>>
    tpu.enqueue_dma source(%dma_start3A_60 : memref<200x128xf32, #tpu.memory_space<hbm>>) target(%dma_start3A_58 : memref<200x128xf32, #tpu.memory_space<vmem>>) target_semaphore(%arg14 : memref<!tpu.dma_semaphore, #tpu.memory_space<semaphore_mem>>)
    %dma_start3A_61 = tpu.memref_slice %arg3[%mul3A_47] : memref<100000xi32, #tpu.memory_space<hbm>> -> memref<200xi32, #tpu.memory_space<hbm>>
    %dma_start3A_62 = tpu.memref_slice %arg3[%mul3A_47] : memref<100000xi32, #tpu.memory_space<hbm>> -> memref<200xi32, #tpu.memory_space<hbm>>
    tpu.enqueue_dma source(%dma_start3A_62 : memref<200xi32, #tpu.memory_space<hbm>>) target(%arg8 : memref<200xi32, #tpu.memory_space<vmem>>) target_semaphore(%arg14 : memref<!tpu.dma_semaphore, #tpu.memory_space<semaphore_mem>>)
    %add3A_63 = arith.constant 3 : i32
    %add3A_64 = arith.addi %add3A_4, %add3A_63 : i32
    %mul3A_65 = arith.constant 200 : i32
    %mul3A_66 = arith.muli %add3A_64, %mul3A_65 : i32
    %dma_start3A_67 = arith.constant 3 : i32
    %dma_start3A_68 = arith.constant 0 : i32
    %dma_start3A_69 = arith.constant 0 : i32
    %dma_start3A_70 = tpu.memref_slice %arg5[%dma_start3A_67, %dma_start3A_68, %dma_start3A_69] : memref<4x200x128xf32, #tpu.memory_space<vmem>> -> memref<1x200x128xf32, #tpu.memory_space<vmem>>
    %dma_start3A_71 = tpu.memref_squeeze %dma_start3A_70 : memref<1x200x128xf32, #tpu.memory_space<vmem>> -> memref<200x128xf32, #tpu.memory_space<vmem>>
    %dma_start3A_72 = arith.constant 0 : i32
    %dma_start3A_73 = tpu.memref_slice %arg2[%mul3A_66, %dma_start3A_72] : memref<100000x128xf32, #tpu.memory_space<hbm>> -> memref<200x128xf32, #tpu.memory_space<hbm>>
    %dma_start3A_74 = arith.constant 0 : i32
    %dma_start3A_75 = arith.constant 0 : i32
    %dma_start3A_76 = tpu.memref_slice %arg5[%dma_start3A_67, %dma_start3A_74, %dma_start3A_75] : memref<4x200x128xf32, #tpu.memory_space<vmem>> -> memref<1x200x128xf32, #tpu.memory_space<vmem>>
    %dma_start3A_77 = tpu.memref_squeeze %dma_start3A_76 : memref<1x200x128xf32, #tpu.memory_space<vmem>> -> memref<200x128xf32, #tpu.memory_space<vmem>>
    %dma_start3A_78 = arith.constant 0 : i32
    %dma_start3A_79 = tpu.memref_slice %arg2[%mul3A_66, %dma_start3A_78] : memref<100000x128xf32, #tpu.memory_space<hbm>> -> memref<200x128xf32, #tpu.memory_space<hbm>>
    tpu.enqueue_dma source(%dma_start3A_79 : memref<200x128xf32, #tpu.memory_space<hbm>>) target(%dma_start3A_77 : memref<200x128xf32, #tpu.memory_space<vmem>>) target_semaphore(%arg15 : memref<!tpu.dma_semaphore, #tpu.memory_space<semaphore_mem>>)
    %dma_start3A_80 = tpu.memref_slice %arg3[%mul3A_66] : memref<100000xi32, #tpu.memory_space<hbm>> -> memref<200xi32, #tpu.memory_space<hbm>>
    %dma_start3A_81 = tpu.memref_slice %arg3[%mul3A_66] : memref<100000xi32, #tpu.memory_space<hbm>> -> memref<200xi32, #tpu.memory_space<hbm>>
    tpu.enqueue_dma source(%dma_start3A_81 : memref<200xi32, #tpu.memory_space<hbm>>) target(%arg9 : memref<200xi32, #tpu.memory_space<vmem>>) target_semaphore(%arg15 : memref<!tpu.dma_semaphore, #tpu.memory_space<semaphore_mem>>)
    %broadcast_in_dim3A = arith.constant 0.000000e+00 : f32
    %broadcast_in_dim3A_82 = vector.broadcast %broadcast_in_dim3A : f32 to vector<16xf32>
    %scan3A = arith.constant 0 : i32
    %scan3A_83 = arith.constant 0 : i32
    %scan3A_84 = arith.constant 8 : i32
    %scan3A_85 = arith.addi %scan3A_83, %scan3A_84 : i32
    %scan3A_86 = arith.constant 1 : i32
    %scan3A_87 = scf.for %scan3A_115 = %scan3A_83 to %scan3A_85 step %scan3A_86 iter_args(%scan3A_116 = %scan3A) -> (i32)  : i32 {
      %swap3A = arith.index_cast %scan3A_115 : i32 to index
      %swap3A_117 = arith.constant 0 : index
      %swap3A_118 = tpu.vector_load %arg10[%swap3A, %swap3A_117] {strides = array<i32>} : memref<8x128xf32, #tpu.memory_space<vmem>>, vector<1x16xf32>,
      %swap3A_119 = vector.shape_cast %swap3A_118 : vector<1x16xf32> to vector<16xf32>
      %swap3A_120 = vector.shape_cast %broadcast_in_dim3A_82 : vector<16xf32> to vector<1x16xf32>
      tpu.vector_store %arg10[%swap3A, %swap3A_117], %swap3A_120 {strides = array<i32>} : memref<8x128xf32, #tpu.memory_space<vmem>>, vector<1x16xf32>,
      %swap3A_121 = arith.index_cast %scan3A_115 : i32 to index
      %swap3A_122 = arith.constant 16 : index
      %swap3A_123 = tpu.vector_load %arg10[%swap3A_121, %swap3A_122] {strides = array<i32>} : memref<8x128xf32, #tpu.memory_space<vmem>>, vector<1x16xf32>,
      %swap3A_124 = vector.shape_cast %swap3A_123 : vector<1x16xf32> to vector<16xf32>
      %swap3A_125 = vector.shape_cast %broadcast_in_dim3A_82 : vector<16xf32> to vector<1x16xf32>
      tpu.vector_store %arg10[%swap3A_121, %swap3A_122], %swap3A_125 {strides = array<i32>} : memref<8x128xf32, #tpu.memory_space<vmem>>, vector<1x16xf32>,
      %swap3A_126 = arith.index_cast %scan3A_115 : i32 to index
      %swap3A_127 = arith.constant 32 : index
      %swap3A_128 = tpu.vector_load %arg10[%swap3A_126, %swap3A_127] {strides = array<i32>} : memref<8x128xf32, #tpu.memory_space<vmem>>, vector<1x16xf32>,
      %swap3A_129 = vector.shape_cast %swap3A_128 : vector<1x16xf32> to vector<16xf32>
      %swap3A_130 = vector.shape_cast %broadcast_in_dim3A_82 : vector<16xf32> to vector<1x16xf32>
      tpu.vector_store %arg10[%swap3A_126, %swap3A_127], %swap3A_130 {strides = array<i32>} : memref<8x128xf32, #tpu.memory_space<vmem>>, vector<1x16xf32>,
      %swap3A_131 = arith.index_cast %scan3A_115 : i32 to index
      %swap3A_132 = arith.constant 48 : index
      %swap3A_133 = tpu.vector_load %arg10[%swap3A_131, %swap3A_132] {strides = array<i32>} : memref<8x128xf32, #tpu.memory_space<vmem>>, vector<1x16xf32>,
      %swap3A_134 = vector.shape_cast %swap3A_133 : vector<1x16xf32> to vector<16xf32>
      %swap3A_135 = vector.shape_cast %broadcast_in_dim3A_82 : vector<16xf32> to vector<1x16xf32>
      tpu.vector_store %arg10[%swap3A_131, %swap3A_132], %swap3A_135 {strides = array<i32>} : memref<8x128xf32, #tpu.memory_space<vmem>>, vector<1x16xf32>,
      %swap3A_136 = arith.index_cast %scan3A_115 : i32 to index
      %swap3A_137 = arith.constant 64 : index
      %swap3A_138 = tpu.vector_load %arg10[%swap3A_136, %swap3A_137] {strides = array<i32>} : memref<8x128xf32, #tpu.memory_space<vmem>>, vector<1x16xf32>,
      %swap3A_139 = vector.shape_cast %swap3A_138 : vector<1x16xf32> to vector<16xf32>
      %swap3A_140 = vector.shape_cast %broadcast_in_dim3A_82 : vector<16xf32> to vector<1x16xf32>
      tpu.vector_store %arg10[%swap3A_136, %swap3A_137], %swap3A_140 {strides = array<i32>} : memref<8x128xf32, #tpu.memory_space<vmem>>, vector<1x16xf32>,
      %swap3A_141 = arith.index_cast %scan3A_115 : i32 to index
      %swap3A_142 = arith.constant 80 : index
      %swap3A_143 = tpu.vector_load %arg10[%swap3A_141, %swap3A_142] {strides = array<i32>} : memref<8x128xf32, #tpu.memory_space<vmem>>, vector<1x16xf32>,
      %swap3A_144 = vector.shape_cast %swap3A_143 : vector<1x16xf32> to vector<16xf32>
      %swap3A_145 = vector.shape_cast %broadcast_in_dim3A_82 : vector<16xf32> to vector<1x16xf32>
      tpu.vector_store %arg10[%swap3A_141, %swap3A_142], %swap3A_145 {strides = array<i32>} : memref<8x128xf32, #tpu.memory_space<vmem>>, vector<1x16xf32>,
      %swap3A_146 = arith.index_cast %scan3A_115 : i32 to index
      %swap3A_147 = arith.constant 96 : index
      %swap3A_148 = tpu.vector_load %arg10[%swap3A_146, %swap3A_147] {strides = array<i32>} : memref<8x128xf32, #tpu.memory_space<vmem>>, vector<1x16xf32>,
      %swap3A_149 = vector.shape_cast %swap3A_148 : vector<1x16xf32> to vector<16xf32>
      %swap3A_150 = vector.shape_cast %broadcast_in_dim3A_82 : vector<16xf32> to vector<1x16xf32>
      tpu.vector_store %arg10[%swap3A_146, %swap3A_147], %swap3A_150 {strides = array<i32>} : memref<8x128xf32, #tpu.memory_space<vmem>>, vector<1x16xf32>,
      %swap3A_151 = arith.index_cast %scan3A_115 : i32 to index
      %swap3A_152 = arith.constant 112 : index
      %swap3A_153 = tpu.vector_load %arg10[%swap3A_151, %swap3A_152] {strides = array<i32>} : memref<8x128xf32, #tpu.memory_space<vmem>>, vector<1x16xf32>,
      %swap3A_154 = vector.shape_cast %swap3A_153 : vector<1x16xf32> to vector<16xf32>
      %swap3A_155 = vector.shape_cast %broadcast_in_dim3A_82 : vector<16xf32> to vector<1x16xf32>
      tpu.vector_store %arg10[%swap3A_151, %swap3A_152], %swap3A_155 {strides = array<i32>} : memref<8x128xf32, #tpu.memory_space<vmem>>, vector<1x16xf32>,
      %scan3A_156 = arith.constant 0 : i32
      scf.yield %scan3A_156 : i32
    }
    %scan3A_88 = arith.constant 8 : i32
    %scan3A_89 = arith.constant 0 : i32
    %scan3A_90 = arith.constant 0 : i32
    %scan3A_91 = arith.constant 16 : i32
    %scan3A_92 = arith.addi %scan3A_90, %scan3A_91 : i32
    %scan3A_93 = arith.constant 1 : i32
    %scan3A_94 = scf.for %scan3A_115 = %scan3A_90 to %scan3A_92 step %scan3A_93 iter_args(%scan3A_116 = %scan3A_89) -> (i32)  : i32 {
      %mul3A_117 = arith.constant 128 : i32
      %mul3A_118 = arith.muli %arg1, %mul3A_117 : i32
      %mul3A_119 = arith.constant 8 : i32
      %mul3A_120 = arith.muli %scan3A_115, %mul3A_119 : i32
      %add3A_121 = arith.addi %mul3A_118, %mul3A_120 : i32
      "tpu.region"() ({
        %run_scoped3A = tpu.sem_alloc : memref<!tpu.dma_semaphore, #tpu.memory_space<semaphore_mem>>
        %dma_start3A_123 = arith.constant 0 : i32
        %dma_start3A_124 = tpu.memref_slice %arg11[%add3A_121, %dma_start3A_123] : memref<2048x128xf32, #tpu.memory_space<vmem_shared>> -> memref<8x128xf32, #tpu.memory_space<vmem_shared>>
        %dma_start3A_125 = arith.constant 0 : i32
        %dma_start3A_126 = tpu.memref_slice %arg11[%add3A_121, %dma_start3A_125] : memref<2048x128xf32, #tpu.memory_space<vmem_shared>> -> memref<8x128xf32, #tpu.memory_space<vmem_shared>>
        tpu.enqueue_dma source(%arg10 : memref<8x128xf32, #tpu.memory_space<vmem>>) target(%dma_start3A_126 : memref<8x128xf32, #tpu.memory_space<vmem_shared>>) target_semaphore(%run_scoped3A : memref<!tpu.dma_semaphore, #tpu.memory_space<semaphore_mem>>)
        %dma_wait3A = arith.constant 0 : i32
        %dma_wait3A_127 = tpu.memref_slice %arg11[%add3A_121, %dma_wait3A] : memref<2048x128xf32, #tpu.memory_space<vmem_shared>> -> memref<8x128xf32, #tpu.memory_space<vmem_shared>>
        %dma_wait3A_128 = arith.constant 0 : i32
        %dma_wait3A_129 = tpu.memref_slice %arg11[%add3A_121, %dma_wait3A_128] : memref<2048x128xf32, #tpu.memory_space<vmem_shared>> -> memref<8x128xf32, #tpu.memory_space<vmem_shared>>
        tpu.wait_dma2 semaphore(%run_scoped3A : memref<!tpu.dma_semaphore, #tpu.memory_space<semaphore_mem>>) src(%arg10 : memref<8x128xf32, #tpu.memory_space<vmem>>) dst(%dma_wait3A_129 : memref<8x128xf32, #tpu.memory_space<vmem_shared>>)
        tpu.yield
      }) : () -> ()
      %scan3A_122 = arith.constant 0 : i32
      scf.yield %scan3A_122 : i32
    }
    %scan3A_95 = arith.constant 16 : i32
    %barrier3A = arith.constant 0 : index
    tpu.barrier barrier_id(%barrier3A)
    %scan3A_96 = arith.constant 0 : i32
    %scan3A_97 = arith.constant 0 : i32
    %scan3A_98 = arith.constant 4 : i32
    %scan3A_99 = arith.addi %scan3A_97, %scan3A_98 : i32
    %scan3A_100 = arith.constant 1 : i32
    %scan3A_101 = scf.for %scan3A_115 = %scan3A_97 to %scan3A_99 step %scan3A_100 iter_args(%scan3A_116 = %scan3A_96) -> (i32)  : i32 {
      %mul3A_117 = arith.constant 4 : i32
      %mul3A_118 = arith.muli %mul3A_117, %scan3A_115 : i32
      %add3A_119 = arith.constant 0 : i32
      %add3A_120 = arith.addi %mul3A_118, %add3A_119 : i32
      %lt3A_121 = arith.cmpi slt, %add3A_120, %select_n3A : i32
      %convert_element_type3A_122 = arith.extui %lt3A_121 : i1 to i32
      %cond3A_123 = arith.constant 0 : i32
      %cond3A_124 = arith.cmpi ne, %convert_element_type3A_122, %cond3A_123 : i32
      scf.if %cond3A_124 {
        %dma_wait3A = arith.constant 0 : i32
        %dma_wait3A_150 = arith.constant 0 : i32
        %dma_wait3A_151 = arith.constant 0 : i32
        %dma_wait3A_152 = tpu.memref_slice %arg5[%dma_wait3A, %dma_wait3A_150, %dma_wait3A_151] : memref<4x200x128xf32, #tpu.memory_space<vmem>> -> memref<1x200x128xf32, #tpu.memory_space<vmem>>
        %dma_wait3A_153 = tpu.memref_squeeze %dma_wait3A_152 : memref<1x200x128xf32, #tpu.memory_space<vmem>> -> memref<200x128xf32, #tpu.memory_space<vmem>>
        %dma_wait3A_154 = arith.constant 0 : i32
        %dma_wait3A_155 = arith.constant 0 : i32
        %dma_wait3A_156 = tpu.memref_slice %arg2[%dma_wait3A_154, %dma_wait3A_155] : memref<100000x128xf32, #tpu.memory_space<hbm>> -> memref<200x128xf32, #tpu.memory_space<hbm>>
        %dma_wait3A_157 = arith.constant 0 : i32
        %dma_wait3A_158 = arith.constant 0 : i32
        %dma_wait3A_159 = tpu.memref_slice %arg5[%dma_wait3A, %dma_wait3A_157, %dma_wait3A_158] : memref<4x200x128xf32, #tpu.memory_space<vmem>> -> memref<1x200x128xf32, #tpu.memory_space<vmem>>
        %dma_wait3A_160 = tpu.memref_squeeze %dma_wait3A_159 : memref<1x200x128xf32, #tpu.memory_space<vmem>> -> memref<200x128xf32, #tpu.memory_space<vmem>>
        %dma_wait3A_161 = arith.constant 0 : i32
        %dma_wait3A_162 = arith.constant 0 : i32
        %dma_wait3A_163 = tpu.memref_slice %arg2[%dma_wait3A_161, %dma_wait3A_162] : memref<100000x128xf32, #tpu.memory_space<hbm>> -> memref<200x128xf32, #tpu.memory_space<hbm>>
        tpu.wait_dma2 semaphore(%arg12 : memref<!tpu.dma_semaphore, #tpu.memory_space<semaphore_mem>>) src(%dma_wait3A_163 : memref<200x128xf32, #tpu.memory_space<hbm>>) dst(%dma_wait3A_160 : memref<200x128xf32, #tpu.memory_space<vmem>>)
        %dma_wait3A_164 = arith.constant 0 : i32
        %dma_wait3A_165 = tpu.memref_slice %arg3[%dma_wait3A_164] : memref<100000xi32, #tpu.memory_space<hbm>> -> memref<200xi32, #tpu.memory_space<hbm>>
        %dma_wait3A_166 = arith.constant 0 : i32
        %dma_wait3A_167 = tpu.memref_slice %arg3[%dma_wait3A_166] : memref<100000xi32, #tpu.memory_space<hbm>> -> memref<200xi32, #tpu.memory_space<hbm>>
        tpu.wait_dma2 semaphore(%arg12 : memref<!tpu.dma_semaphore, #tpu.memory_space<semaphore_mem>>) src(%dma_wait3A_167 : memref<200xi32, #tpu.memory_space<hbm>>) dst(%arg6 : memref<200xi32, #tpu.memory_space<vmem>>)
        %dma_start3A_168 = arith.constant 0 : i32
        %dma_start3A_169 = arith.constant 0 : i32
        %dma_start3A_170 = arith.constant 0 : i32
        %dma_start3A_171 = tpu.memref_slice %arg5[%dma_start3A_168, %dma_start3A_169, %dma_start3A_170] : memref<4x200x128xf32, #tpu.memory_space<vmem>> -> memref<1x200x128xf32, #tpu.memory_space<vmem>>
        %dma_start3A_172 = tpu.memref_squeeze %dma_start3A_171 : memref<1x200x128xf32, #tpu.memory_space<vmem>> -> memref<200x128xf32, #tpu.memory_space<vmem>>
        %dma_start3A_173 = arith.constant 0 : i32
        %dma_start3A_174 = arith.constant 0 : i32
        %dma_start3A_175 = tpu.memref_slice %arg11[%dma_start3A_173, %dma_start3A_174] : memref<2048x128xf32, #tpu.memory_space<vmem_shared>> -> memref<2048x128xf32, #tpu.memory_space<vmem_shared>>
        tpu.enqueue_indirect_dma source(%dma_start3A_172 : memref<200x128xf32, #tpu.memory_space<vmem>>) target(%dma_start3A_175 : memref<2048x128xf32, #tpu.memory_space<vmem_shared>>) offsets(%arg6 : memref<200xi32, #tpu.memory_space<vmem>>) semaphore(%arg16 : memref<!tpu.dma_semaphore, #tpu.memory_space<semaphore_mem>>) {add = true}
        %ge3A = arith.constant 1 : i32
        %ge3A_176 = arith.cmpi sge, %add3A_120, %ge3A : i32
        %convert_element_type3A_177 = arith.extui %ge3A_176 : i1 to i32
        %cond3A_178 = arith.constant 0 : i32
        %cond3A_179 = arith.cmpi ne, %convert_element_type3A_177, %cond3A_178 : i32
        scf.if %cond3A_179 {
          %dma_wait3A_180 = arith.constant 3 : i32
          %dma_wait3A_181 = arith.constant 0 : i32
          %dma_wait3A_182 = arith.constant 0 : i32
          %dma_wait3A_183 = tpu.memref_slice %arg5[%dma_wait3A_180, %dma_wait3A_181, %dma_wait3A_182] : memref<4x200x128xf32, #tpu.memory_space<vmem>> -> memref<1x200x128xf32, #tpu.memory_space<vmem>>
          %dma_wait3A_184 = tpu.memref_squeeze %dma_wait3A_183 : memref<1x200x128xf32, #tpu.memory_space<vmem>> -> memref<200x128xf32, #tpu.memory_space<vmem>>
          %dma_wait3A_185 = arith.constant 0 : i32
          %dma_wait3A_186 = arith.constant 0 : i32
          %dma_wait3A_187 = tpu.memref_slice %arg11[%dma_wait3A_185, %dma_wait3A_186] : memref<2048x128xf32, #tpu.memory_space<vmem_shared>> -> memref<2048x128xf32, #tpu.memory_space<vmem_shared>>
          tpu.wait_indirect_dma semaphore(%arg19 : memref<!tpu.dma_semaphore, #tpu.memory_space<semaphore_mem>>) src(%dma_wait3A_184 : memref<200x128xf32, #tpu.memory_space<vmem>>) dst(%dma_wait3A_187 : memref<2048x128xf32, #tpu.memory_space<vmem_shared>>)
          %add3A_188 = arith.constant 4 : i32
          %add3A_189 = arith.addi %add3A_120, %add3A_188 : i32
          %sub3A = arith.constant 1 : i32
          %sub3A_190 = arith.subi %add3A_189, %sub3A : i32
          %lt3A_191 = arith.cmpi slt, %sub3A_190, %select_n3A : i32
          %convert_element_type3A_192 = arith.extui %lt3A_191 : i1 to i32
          %cond3A_193 = arith.constant 0 : i32
          %cond3A_194 = arith.cmpi ne, %convert_element_type3A_192, %cond3A_193 : i32
          scf.if %cond3A_194 {
            %add3A_195 = arith.addi %add3A_4, %sub3A_190 : i32
            %mul3A_196 = arith.constant 200 : i32
            %mul3A_197 = arith.muli %add3A_195, %mul3A_196 : i32
            %dma_start3A_198 = arith.constant 3 : i32
            %dma_start3A_199 = arith.constant 0 : i32
            %dma_start3A_200 = arith.constant 0 : i32
            %dma_start3A_201 = tpu.memref_slice %arg5[%dma_start3A_198, %dma_start3A_199, %dma_start3A_200] : memref<4x200x128xf32, #tpu.memory_space<vmem>> -> memref<1x200x128xf32, #tpu.memory_space<vmem>>
            %dma_start3A_202 = tpu.memref_squeeze %dma_start3A_201 : memref<1x200x128xf32, #tpu.memory_space<vmem>> -> memref<200x128xf32, #tpu.memory_space<vmem>>
            %dma_start3A_203 = arith.constant 0 : i32
            %dma_start3A_204 = tpu.memref_slice %arg2[%mul3A_197, %dma_start3A_203] : memref<100000x128xf32, #tpu.memory_space<hbm>> -> memref<200x128xf32, #tpu.memory_space<hbm>>
            %dma_start3A_205 = arith.constant 0 : i32
            %dma_start3A_206 = arith.constant 0 : i32
            %dma_start3A_207 = tpu.memref_slice %arg5[%dma_start3A_198, %dma_start3A_205, %dma_start3A_206] : memref<4x200x128xf32, #tpu.memory_space<vmem>> -> memref<1x200x128xf32, #tpu.memory_space<vmem>>
            %dma_start3A_208 = tpu.memref_squeeze %dma_start3A_207 : memref<1x200x128xf32, #tpu.memory_space<vmem>> -> memref<200x128xf32, #tpu.memory_space<vmem>>
            %dma_start3A_209 = arith.constant 0 : i32
            %dma_start3A_210 = tpu.memref_slice %arg2[%mul3A_197, %dma_start3A_209] : memref<100000x128xf32, #tpu.memory_space<hbm>> -> memref<200x128xf32, #tpu.memory_space<hbm>>
            tpu.enqueue_dma source(%dma_start3A_210 : memref<200x128xf32, #tpu.memory_space<hbm>>) target(%dma_start3A_208 : memref<200x128xf32, #tpu.memory_space<vmem>>) target_semaphore(%arg15 : memref<!tpu.dma_semaphore, #tpu.memory_space<semaphore_mem>>)
            %dma_start3A_211 = tpu.memref_slice %arg3[%mul3A_197] : memref<100000xi32, #tpu.memory_space<hbm>> -> memref<200xi32, #tpu.memory_space<hbm>>
            %dma_start3A_212 = tpu.memref_slice %arg3[%mul3A_197] : memref<100000xi32, #tpu.memory_space<hbm>> -> memref<200xi32, #tpu.memory_space<hbm>>
            tpu.enqueue_dma source(%dma_start3A_212 : memref<200xi32, #tpu.memory_space<hbm>>) target(%arg9 : memref<200xi32, #tpu.memory_space<vmem>>) target_semaphore(%arg15 : memref<!tpu.dma_semaphore, #tpu.memory_space<semaphore_mem>>)
          } else {
          }
        } else {
        }
      } else {
      }
      %mul3A_125 = arith.constant 4 : i32
      %mul3A_126 = arith.muli %mul3A_125, %scan3A_115 : i32
      %add3A_127 = arith.constant 1 : i32
      %add3A_128 = arith.addi %mul3A_126, %add3A_127 : i32
      %lt3A_129 = arith.cmpi slt, %add3A_128, %select_n3A : i32
      %convert_element_type3A_130 = arith.extui %lt3A_129 : i1 to i32
      %cond3A_131 = arith.constant 0 : i32
      %cond3A_132 = arith.cmpi ne, %convert_element_type3A_130, %cond3A_131 : i32
      scf.if %cond3A_132 {
        %dma_wait3A = arith.constant 1 : i32
        %dma_wait3A_150 = arith.constant 0 : i32
        %dma_wait3A_151 = arith.constant 0 : i32
        %dma_wait3A_152 = tpu.memref_slice %arg5[%dma_wait3A, %dma_wait3A_150, %dma_wait3A_151] : memref<4x200x128xf32, #tpu.memory_space<vmem>> -> memref<1x200x128xf32, #tpu.memory_space<vmem>>
        %dma_wait3A_153 = tpu.memref_squeeze %dma_wait3A_152 : memref<1x200x128xf32, #tpu.memory_space<vmem>> -> memref<200x128xf32, #tpu.memory_space<vmem>>
        %dma_wait3A_154 = arith.constant 0 : i32
        %dma_wait3A_155 = arith.constant 0 : i32
        %dma_wait3A_156 = tpu.memref_slice %arg2[%dma_wait3A_154, %dma_wait3A_155] : memref<100000x128xf32, #tpu.memory_space<hbm>> -> memref<200x128xf32, #tpu.memory_space<hbm>>
        %dma_wait3A_157 = arith.constant 0 : i32
        %dma_wait3A_158 = arith.constant 0 : i32
        %dma_wait3A_159 = tpu.memref_slice %arg5[%dma_wait3A, %dma_wait3A_157, %dma_wait3A_158] : memref<4x200x128xf32, #tpu.memory_space<vmem>> -> memref<1x200x128xf32, #tpu.memory_space<vmem>>
        %dma_wait3A_160 = tpu.memref_squeeze %dma_wait3A_159 : memref<1x200x128xf32, #tpu.memory_space<vmem>> -> memref<200x128xf32, #tpu.memory_space<vmem>>
        %dma_wait3A_161 = arith.constant 0 : i32
        %dma_wait3A_162 = arith.constant 0 : i32
        %dma_wait3A_163 = tpu.memref_slice %arg2[%dma_wait3A_161, %dma_wait3A_162] : memref<100000x128xf32, #tpu.memory_space<hbm>> -> memref<200x128xf32, #tpu.memory_space<hbm>>
        tpu.wait_dma2 semaphore(%arg13 : memref<!tpu.dma_semaphore, #tpu.memory_space<semaphore_mem>>) src(%dma_wait3A_163 : memref<200x128xf32, #tpu.memory_space<hbm>>) dst(%dma_wait3A_160 : memref<200x128xf32, #tpu.memory_space<vmem>>)
        %dma_wait3A_164 = arith.constant 0 : i32
        %dma_wait3A_165 = tpu.memref_slice %arg3[%dma_wait3A_164] : memref<100000xi32, #tpu.memory_space<hbm>> -> memref<200xi32, #tpu.memory_space<hbm>>
        %dma_wait3A_166 = arith.constant 0 : i32
        %dma_wait3A_167 = tpu.memref_slice %arg3[%dma_wait3A_166] : memref<100000xi32, #tpu.memory_space<hbm>> -> memref<200xi32, #tpu.memory_space<hbm>>
        tpu.wait_dma2 semaphore(%arg13 : memref<!tpu.dma_semaphore, #tpu.memory_space<semaphore_mem>>) src(%dma_wait3A_167 : memref<200xi32, #tpu.memory_space<hbm>>) dst(%arg7 : memref<200xi32, #tpu.memory_space<vmem>>)
        %dma_start3A_168 = arith.constant 1 : i32
        %dma_start3A_169 = arith.constant 0 : i32
        %dma_start3A_170 = arith.constant 0 : i32
        %dma_start3A_171 = tpu.memref_slice %arg5[%dma_start3A_168, %dma_start3A_169, %dma_start3A_170] : memref<4x200x128xf32, #tpu.memory_space<vmem>> -> memref<1x200x128xf32, #tpu.memory_space<vmem>>
        %dma_start3A_172 = tpu.memref_squeeze %dma_start3A_171 : memref<1x200x128xf32, #tpu.memory_space<vmem>> -> memref<200x128xf32, #tpu.memory_space<vmem>>
        %dma_start3A_173 = arith.constant 0 : i32
        %dma_start3A_174 = arith.constant 0 : i32
        %dma_start3A_175 = tpu.memref_slice %arg11[%dma_start3A_173, %dma_start3A_174] : memref<2048x128xf32, #tpu.memory_space<vmem_shared>> -> memref<2048x128xf32, #tpu.memory_space<vmem_shared>>
        tpu.enqueue_indirect_dma source(%dma_start3A_172 : memref<200x128xf32, #tpu.memory_space<vmem>>) target(%dma_start3A_175 : memref<2048x128xf32, #tpu.memory_space<vmem_shared>>) offsets(%arg7 : memref<200xi32, #tpu.memory_space<vmem>>) semaphore(%arg17 : memref<!tpu.dma_semaphore, #tpu.memory_space<semaphore_mem>>) {add = true}
        %ge3A = arith.constant 1 : i32
        %ge3A_176 = arith.cmpi sge, %add3A_128, %ge3A : i32
        %convert_element_type3A_177 = arith.extui %ge3A_176 : i1 to i32
        %cond3A_178 = arith.constant 0 : i32
        %cond3A_179 = arith.cmpi ne, %convert_element_type3A_177, %cond3A_178 : i32
        scf.if %cond3A_179 {
          %dma_wait3A_180 = arith.constant 0 : i32
          %dma_wait3A_181 = arith.constant 0 : i32
          %dma_wait3A_182 = arith.constant 0 : i32
          %dma_wait3A_183 = tpu.memref_slice %arg5[%dma_wait3A_180, %dma_wait3A_181, %dma_wait3A_182] : memref<4x200x128xf32, #tpu.memory_space<vmem>> -> memref<1x200x128xf32, #tpu.memory_space<vmem>>
          %dma_wait3A_184 = tpu.memref_squeeze %dma_wait3A_183 : memref<1x200x128xf32, #tpu.memory_space<vmem>> -> memref<200x128xf32, #tpu.memory_space<vmem>>
          %dma_wait3A_185 = arith.constant 0 : i32
          %dma_wait3A_186 = arith.constant 0 : i32
          %dma_wait3A_187 = tpu.memref_slice %arg11[%dma_wait3A_185, %dma_wait3A_186] : memref<2048x128xf32, #tpu.memory_space<vmem_shared>> -> memref<2048x128xf32, #tpu.memory_space<vmem_shared>>
          tpu.wait_indirect_dma semaphore(%arg16 : memref<!tpu.dma_semaphore, #tpu.memory_space<semaphore_mem>>) src(%dma_wait3A_184 : memref<200x128xf32, #tpu.memory_space<vmem>>) dst(%dma_wait3A_187 : memref<2048x128xf32, #tpu.memory_space<vmem_shared>>)
          %add3A_188 = arith.constant 4 : i32
          %add3A_189 = arith.addi %add3A_128, %add3A_188 : i32
          %sub3A = arith.constant 1 : i32
          %sub3A_190 = arith.subi %add3A_189, %sub3A : i32
          %lt3A_191 = arith.cmpi slt, %sub3A_190, %select_n3A : i32
          %convert_element_type3A_192 = arith.extui %lt3A_191 : i1 to i32
          %cond3A_193 = arith.constant 0 : i32
          %cond3A_194 = arith.cmpi ne, %convert_element_type3A_192, %cond3A_193 : i32
          scf.if %cond3A_194 {
            %add3A_195 = arith.addi %add3A_4, %sub3A_190 : i32
            %mul3A_196 = arith.constant 200 : i32
            %mul3A_197 = arith.muli %add3A_195, %mul3A_196 : i32
            %dma_start3A_198 = arith.constant 0 : i32
            %dma_start3A_199 = arith.constant 0 : i32
            %dma_start3A_200 = arith.constant 0 : i32
            %dma_start3A_201 = tpu.memref_slice %arg5[%dma_start3A_198, %dma_start3A_199, %dma_start3A_200] : memref<4x200x128xf32, #tpu.memory_space<vmem>> -> memref<1x200x128xf32, #tpu.memory_space<vmem>>
            %dma_start3A_202 = tpu.memref_squeeze %dma_start3A_201 : memref<1x200x128xf32, #tpu.memory_space<vmem>> -> memref<200x128xf32, #tpu.memory_space<vmem>>
            %dma_start3A_203 = arith.constant 0 : i32
            %dma_start3A_204 = tpu.memref_slice %arg2[%mul3A_197, %dma_start3A_203] : memref<100000x128xf32, #tpu.memory_space<hbm>> -> memref<200x128xf32, #tpu.memory_space<hbm>>
            %dma_start3A_205 = arith.constant 0 : i32
            %dma_start3A_206 = arith.constant 0 : i32
            %dma_start3A_207 = tpu.memref_slice %arg5[%dma_start3A_198, %dma_start3A_205, %dma_start3A_206] : memref<4x200x128xf32, #tpu.memory_space<vmem>> -> memref<1x200x128xf32, #tpu.memory_space<vmem>>
            %dma_start3A_208 = tpu.memref_squeeze %dma_start3A_207 : memref<1x200x128xf32, #tpu.memory_space<vmem>> -> memref<200x128xf32, #tpu.memory_space<vmem>>
            %dma_start3A_209 = arith.constant 0 : i32
            %dma_start3A_210 = tpu.memref_slice %arg2[%mul3A_197, %dma_start3A_209] : memref<100000x128xf32, #tpu.memory_space<hbm>> -> memref<200x128xf32, #tpu.memory_space<hbm>>
            tpu.enqueue_dma source(%dma_start3A_210 : memref<200x128xf32, #tpu.memory_space<hbm>>) target(%dma_start3A_208 : memref<200x128xf32, #tpu.memory_space<vmem>>) target_semaphore(%arg12 : memref<!tpu.dma_semaphore, #tpu.memory_space<semaphore_mem>>)
            %dma_start3A_211 = tpu.memref_slice %arg3[%mul3A_197] : memref<100000xi32, #tpu.memory_space<hbm>> -> memref<200xi32, #tpu.memory_space<hbm>>
            %dma_start3A_212 = tpu.memref_slice %arg3[%mul3A_197] : memref<100000xi32, #tpu.memory_space<hbm>> -> memref<200xi32, #tpu.memory_space<hbm>>
            tpu.enqueue_dma source(%dma_start3A_212 : memref<200xi32, #tpu.memory_space<hbm>>) target(%arg6 : memref<200xi32, #tpu.memory_space<vmem>>) target_semaphore(%arg12 : memref<!tpu.dma_semaphore, #tpu.memory_space<semaphore_mem>>)
          } else {
          }
        } else {
        }
      } else {
      }
      %mul3A_133 = arith.constant 4 : i32
      %mul3A_134 = arith.muli %mul3A_133, %scan3A_115 : i32
      %add3A_135 = arith.constant 2 : i32
      %add3A_136 = arith.addi %mul3A_134, %add3A_135 : i32
      %lt3A_137 = arith.cmpi slt, %add3A_136, %select_n3A : i32
      %convert_element_type3A_138 = arith.extui %lt3A_137 : i1 to i32
      %cond3A_139 = arith.constant 0 : i32
      %cond3A_140 = arith.cmpi ne, %convert_element_type3A_138, %cond3A_139 : i32
      scf.if %cond3A_140 {
        %dma_wait3A = arith.constant 2 : i32
        %dma_wait3A_150 = arith.constant 0 : i32
        %dma_wait3A_151 = arith.constant 0 : i32
        %dma_wait3A_152 = tpu.memref_slice %arg5[%dma_wait3A, %dma_wait3A_150, %dma_wait3A_151] : memref<4x200x128xf32, #tpu.memory_space<vmem>> -> memref<1x200x128xf32, #tpu.memory_space<vmem>>
        %dma_wait3A_153 = tpu.memref_squeeze %dma_wait3A_152 : memref<1x200x128xf32, #tpu.memory_space<vmem>> -> memref<200x128xf32, #tpu.memory_space<vmem>>
        %dma_wait3A_154 = arith.constant 0 : i32
        %dma_wait3A_155 = arith.constant 0 : i32
        %dma_wait3A_156 = tpu.memref_slice %arg2[%dma_wait3A_154, %dma_wait3A_155] : memref<100000x128xf32, #tpu.memory_space<hbm>> -> memref<200x128xf32, #tpu.memory_space<hbm>>
        %dma_wait3A_157 = arith.constant 0 : i32
        %dma_wait3A_158 = arith.constant 0 : i32
        %dma_wait3A_159 = tpu.memref_slice %arg5[%dma_wait3A, %dma_wait3A_157, %dma_wait3A_158] : memref<4x200x128xf32, #tpu.memory_space<vmem>> -> memref<1x200x128xf32, #tpu.memory_space<vmem>>
        %dma_wait3A_160 = tpu.memref_squeeze %dma_wait3A_159 : memref<1x200x128xf32, #tpu.memory_space<vmem>> -> memref<200x128xf32, #tpu.memory_space<vmem>>
        %dma_wait3A_161 = arith.constant 0 : i32
        %dma_wait3A_162 = arith.constant 0 : i32
        %dma_wait3A_163 = tpu.memref_slice %arg2[%dma_wait3A_161, %dma_wait3A_162] : memref<100000x128xf32, #tpu.memory_space<hbm>> -> memref<200x128xf32, #tpu.memory_space<hbm>>
        tpu.wait_dma2 semaphore(%arg14 : memref<!tpu.dma_semaphore, #tpu.memory_space<semaphore_mem>>) src(%dma_wait3A_163 : memref<200x128xf32, #tpu.memory_space<hbm>>) dst(%dma_wait3A_160 : memref<200x128xf32, #tpu.memory_space<vmem>>)
        %dma_wait3A_164 = arith.constant 0 : i32
        %dma_wait3A_165 = tpu.memref_slice %arg3[%dma_wait3A_164] : memref<100000xi32, #tpu.memory_space<hbm>> -> memref<200xi32, #tpu.memory_space<hbm>>
        %dma_wait3A_166 = arith.constant 0 : i32
        %dma_wait3A_167 = tpu.memref_slice %arg3[%dma_wait3A_166] : memref<100000xi32, #tpu.memory_space<hbm>> -> memref<200xi32, #tpu.memory_space<hbm>>
        tpu.wait_dma2 semaphore(%arg14 : memref<!tpu.dma_semaphore, #tpu.memory_space<semaphore_mem>>) src(%dma_wait3A_167 : memref<200xi32, #tpu.memory_space<hbm>>) dst(%arg8 : memref<200xi32, #tpu.memory_space<vmem>>)
        %dma_start3A_168 = arith.constant 2 : i32
        %dma_start3A_169 = arith.constant 0 : i32
        %dma_start3A_170 = arith.constant 0 : i32
        %dma_start3A_171 = tpu.memref_slice %arg5[%dma_start3A_168, %dma_start3A_169, %dma_start3A_170] : memref<4x200x128xf32, #tpu.memory_space<vmem>> -> memref<1x200x128xf32, #tpu.memory_space<vmem>>
        %dma_start3A_172 = tpu.memref_squeeze %dma_start3A_171 : memref<1x200x128xf32, #tpu.memory_space<vmem>> -> memref<200x128xf32, #tpu.memory_space<vmem>>
        %dma_start3A_173 = arith.constant 0 : i32
        %dma_start3A_174 = arith.constant 0 : i32
        %dma_start3A_175 = tpu.memref_slice %arg11[%dma_start3A_173, %dma_start3A_174] : memref<2048x128xf32, #tpu.memory_space<vmem_shared>> -> memref<2048x128xf32, #tpu.memory_space<vmem_shared>>
        tpu.enqueue_indirect_dma source(%dma_start3A_172 : memref<200x128xf32, #tpu.memory_space<vmem>>) target(%dma_start3A_175 : memref<2048x128xf32, #tpu.memory_space<vmem_shared>>) offsets(%arg8 : memref<200xi32, #tpu.memory_space<vmem>>) semaphore(%arg18 : memref<!tpu.dma_semaphore, #tpu.memory_space<semaphore_mem>>) {add = true}
        %ge3A = arith.constant 1 : i32
        %ge3A_176 = arith.cmpi sge, %add3A_136, %ge3A : i32
        %convert_element_type3A_177 = arith.extui %ge3A_176 : i1 to i32
        %cond3A_178 = arith.constant 0 : i32
        %cond3A_179 = arith.cmpi ne, %convert_element_type3A_177, %cond3A_178 : i32
        scf.if %cond3A_179 {
          %dma_wait3A_180 = arith.constant 1 : i32
          %dma_wait3A_181 = arith.constant 0 : i32
          %dma_wait3A_182 = arith.constant 0 : i32
          %dma_wait3A_183 = tpu.memref_slice %arg5[%dma_wait3A_180, %dma_wait3A_181, %dma_wait3A_182] : memref<4x200x128xf32, #tpu.memory_space<vmem>> -> memref<1x200x128xf32, #tpu.memory_space<vmem>>
          %dma_wait3A_184 = tpu.memref_squeeze %dma_wait3A_183 : memref<1x200x128xf32, #tpu.memory_space<vmem>> -> memref<200x128xf32, #tpu.memory_space<vmem>>
          %dma_wait3A_185 = arith.constant 0 : i32
          %dma_wait3A_186 = arith.constant 0 : i32
          %dma_wait3A_187 = tpu.memref_slice %arg11[%dma_wait3A_185, %dma_wait3A_186] : memref<2048x128xf32, #tpu.memory_space<vmem_shared>> -> memref<2048x128xf32, #tpu.memory_space<vmem_shared>>
          tpu.wait_indirect_dma semaphore(%arg17 : memref<!tpu.dma_semaphore, #tpu.memory_space<semaphore_mem>>) src(%dma_wait3A_184 : memref<200x128xf32, #tpu.memory_space<vmem>>) dst(%dma_wait3A_187 : memref<2048x128xf32, #tpu.memory_space<vmem_shared>>)
          %add3A_188 = arith.constant 4 : i32
          %add3A_189 = arith.addi %add3A_136, %add3A_188 : i32
          %sub3A = arith.constant 1 : i32
          %sub3A_190 = arith.subi %add3A_189, %sub3A : i32
          %lt3A_191 = arith.cmpi slt, %sub3A_190, %select_n3A : i32
          %convert_element_type3A_192 = arith.extui %lt3A_191 : i1 to i32
          %cond3A_193 = arith.constant 0 : i32
          %cond3A_194 = arith.cmpi ne, %convert_element_type3A_192, %cond3A_193 : i32
          scf.if %cond3A_194 {
            %add3A_195 = arith.addi %add3A_4, %sub3A_190 : i32
            %mul3A_196 = arith.constant 200 : i32
            %mul3A_197 = arith.muli %add3A_195, %mul3A_196 : i32
            %dma_start3A_198 = arith.constant 1 : i32
            %dma_start3A_199 = arith.constant 0 : i32
            %dma_start3A_200 = arith.constant 0 : i32
            %dma_start3A_201 = tpu.memref_slice %arg5[%dma_start3A_198, %dma_start3A_199, %dma_start3A_200] : memref<4x200x128xf32, #tpu.memory_space<vmem>> -> memref<1x200x128xf32, #tpu.memory_space<vmem>>
            %dma_start3A_202 = tpu.memref_squeeze %dma_start3A_201 : memref<1x200x128xf32, #tpu.memory_space<vmem>> -> memref<200x128xf32, #tpu.memory_space<vmem>>
            %dma_start3A_203 = arith.constant 0 : i32
            %dma_start3A_204 = tpu.memref_slice %arg2[%mul3A_197, %dma_start3A_203] : memref<100000x128xf32, #tpu.memory_space<hbm>> -> memref<200x128xf32, #tpu.memory_space<hbm>>
            %dma_start3A_205 = arith.constant 0 : i32
            %dma_start3A_206 = arith.constant 0 : i32
            %dma_start3A_207 = tpu.memref_slice %arg5[%dma_start3A_198, %dma_start3A_205, %dma_start3A_206] : memref<4x200x128xf32, #tpu.memory_space<vmem>> -> memref<1x200x128xf32, #tpu.memory_space<vmem>>
            %dma_start3A_208 = tpu.memref_squeeze %dma_start3A_207 : memref<1x200x128xf32, #tpu.memory_space<vmem>> -> memref<200x128xf32, #tpu.memory_space<vmem>>
            %dma_start3A_209 = arith.constant 0 : i32
            %dma_start3A_210 = tpu.memref_slice %arg2[%mul3A_197, %dma_start3A_209] : memref<100000x128xf32, #tpu.memory_space<hbm>> -> memref<200x128xf32, #tpu.memory_space<hbm>>
            tpu.enqueue_dma source(%dma_start3A_210 : memref<200x128xf32, #tpu.memory_space<hbm>>) target(%dma_start3A_208 : memref<200x128xf32, #tpu.memory_space<vmem>>) target_semaphore(%arg13 : memref<!tpu.dma_semaphore, #tpu.memory_space<semaphore_mem>>)
            %dma_start3A_211 = tpu.memref_slice %arg3[%mul3A_197] : memref<100000xi32, #tpu.memory_space<hbm>> -> memref<200xi32, #tpu.memory_space<hbm>>
            %dma_start3A_212 = tpu.memref_slice %arg3[%mul3A_197] : memref<100000xi32, #tpu.memory_space<hbm>> -> memref<200xi32, #tpu.memory_space<hbm>>
            tpu.enqueue_dma source(%dma_start3A_212 : memref<200xi32, #tpu.memory_space<hbm>>) target(%arg7 : memref<200xi32, #tpu.memory_space<vmem>>) target_semaphore(%arg13 : memref<!tpu.dma_semaphore, #tpu.memory_space<semaphore_mem>>)
          } else {
          }
        } else {
        }
      } else {
      }
      %mul3A_141 = arith.constant 4 : i32
      %mul3A_142 = arith.muli %mul3A_141, %scan3A_115 : i32
      %add3A_143 = arith.constant 3 : i32
      %add3A_144 = arith.addi %mul3A_142, %add3A_143 : i32
      %lt3A_145 = arith.cmpi slt, %add3A_144, %select_n3A : i32
      %convert_element_type3A_146 = arith.extui %lt3A_145 : i1 to i32
      %cond3A_147 = arith.constant 0 : i32
      %cond3A_148 = arith.cmpi ne, %convert_element_type3A_146, %cond3A_147 : i32
      scf.if %cond3A_148 {
        %dma_wait3A = arith.constant 3 : i32
        %dma_wait3A_150 = arith.constant 0 : i32
        %dma_wait3A_151 = arith.constant 0 : i32
        %dma_wait3A_152 = tpu.memref_slice %arg5[%dma_wait3A, %dma_wait3A_150, %dma_wait3A_151] : memref<4x200x128xf32, #tpu.memory_space<vmem>> -> memref<1x200x128xf32, #tpu.memory_space<vmem>>
        %dma_wait3A_153 = tpu.memref_squeeze %dma_wait3A_152 : memref<1x200x128xf32, #tpu.memory_space<vmem>> -> memref<200x128xf32, #tpu.memory_space<vmem>>
        %dma_wait3A_154 = arith.constant 0 : i32
        %dma_wait3A_155 = arith.constant 0 : i32
        %dma_wait3A_156 = tpu.memref_slice %arg2[%dma_wait3A_154, %dma_wait3A_155] : memref<100000x128xf32, #tpu.memory_space<hbm>> -> memref<200x128xf32, #tpu.memory_space<hbm>>
        %dma_wait3A_157 = arith.constant 0 : i32
        %dma_wait3A_158 = arith.constant 0 : i32
        %dma_wait3A_159 = tpu.memref_slice %arg5[%dma_wait3A, %dma_wait3A_157, %dma_wait3A_158] : memref<4x200x128xf32, #tpu.memory_space<vmem>> -> memref<1x200x128xf32, #tpu.memory_space<vmem>>
        %dma_wait3A_160 = tpu.memref_squeeze %dma_wait3A_159 : memref<1x200x128xf32, #tpu.memory_space<vmem>> -> memref<200x128xf32, #tpu.memory_space<vmem>>
        %dma_wait3A_161 = arith.constant 0 : i32
        %dma_wait3A_162 = arith.constant 0 : i32
        %dma_wait3A_163 = tpu.memref_slice %arg2[%dma_wait3A_161, %dma_wait3A_162] : memref<100000x128xf32, #tpu.memory_space<hbm>> -> memref<200x128xf32, #tpu.memory_space<hbm>>
        tpu.wait_dma2 semaphore(%arg15 : memref<!tpu.dma_semaphore, #tpu.memory_space<semaphore_mem>>) src(%dma_wait3A_163 : memref<200x128xf32, #tpu.memory_space<hbm>>) dst(%dma_wait3A_160 : memref<200x128xf32, #tpu.memory_space<vmem>>)
        %dma_wait3A_164 = arith.constant 0 : i32
        %dma_wait3A_165 = tpu.memref_slice %arg3[%dma_wait3A_164] : memref<100000xi32, #tpu.memory_space<hbm>> -> memref<200xi32, #tpu.memory_space<hbm>>
        %dma_wait3A_166 = arith.constant 0 : i32
        %dma_wait3A_167 = tpu.memref_slice %arg3[%dma_wait3A_166] : memref<100000xi32, #tpu.memory_space<hbm>> -> memref<200xi32, #tpu.memory_space<hbm>>
        tpu.wait_dma2 semaphore(%arg15 : memref<!tpu.dma_semaphore, #tpu.memory_space<semaphore_mem>>) src(%dma_wait3A_167 : memref<200xi32, #tpu.memory_space<hbm>>) dst(%arg9 : memref<200xi32, #tpu.memory_space<vmem>>)
        %dma_start3A_168 = arith.constant 3 : i32
        %dma_start3A_169 = arith.constant 0 : i32
        %dma_start3A_170 = arith.constant 0 : i32
        %dma_start3A_171 = tpu.memref_slice %arg5[%dma_start3A_168, %dma_start3A_169, %dma_start3A_170] : memref<4x200x128xf32, #tpu.memory_space<vmem>> -> memref<1x200x128xf32, #tpu.memory_space<vmem>>
        %dma_start3A_172 = tpu.memref_squeeze %dma_start3A_171 : memref<1x200x128xf32, #tpu.memory_space<vmem>> -> memref<200x128xf32, #tpu.memory_space<vmem>>
        %dma_start3A_173 = arith.constant 0 : i32
        %dma_start3A_174 = arith.constant 0 : i32
        %dma_start3A_175 = tpu.memref_slice %arg11[%dma_start3A_173, %dma_start3A_174] : memref<2048x128xf32, #tpu.memory_space<vmem_shared>> -> memref<2048x128xf32, #tpu.memory_space<vmem_shared>>
        tpu.enqueue_indirect_dma source(%dma_start3A_172 : memref<200x128xf32, #tpu.memory_space<vmem>>) target(%dma_start3A_175 : memref<2048x128xf32, #tpu.memory_space<vmem_shared>>) offsets(%arg9 : memref<200xi32, #tpu.memory_space<vmem>>) semaphore(%arg19 : memref<!tpu.dma_semaphore, #tpu.memory_space<semaphore_mem>>) {add = true}
        %ge3A = arith.constant 1 : i32
        %ge3A_176 = arith.cmpi sge, %add3A_144, %ge3A : i32
        %convert_element_type3A_177 = arith.extui %ge3A_176 : i1 to i32
        %cond3A_178 = arith.constant 0 : i32
        %cond3A_179 = arith.cmpi ne, %convert_element_type3A_177, %cond3A_178 : i32
        scf.if %cond3A_179 {
          %dma_wait3A_180 = arith.constant 2 : i32
          %dma_wait3A_181 = arith.constant 0 : i32
          %dma_wait3A_182 = arith.constant 0 : i32
          %dma_wait3A_183 = tpu.memref_slice %arg5[%dma_wait3A_180, %dma_wait3A_181, %dma_wait3A_182] : memref<4x200x128xf32, #tpu.memory_space<vmem>> -> memref<1x200x128xf32, #tpu.memory_space<vmem>>
          %dma_wait3A_184 = tpu.memref_squeeze %dma_wait3A_183 : memref<1x200x128xf32, #tpu.memory_space<vmem>> -> memref<200x128xf32, #tpu.memory_space<vmem>>
          %dma_wait3A_185 = arith.constant 0 : i32
          %dma_wait3A_186 = arith.constant 0 : i32
          %dma_wait3A_187 = tpu.memref_slice %arg11[%dma_wait3A_185, %dma_wait3A_186] : memref<2048x128xf32, #tpu.memory_space<vmem_shared>> -> memref<2048x128xf32, #tpu.memory_space<vmem_shared>>
          tpu.wait_indirect_dma semaphore(%arg18 : memref<!tpu.dma_semaphore, #tpu.memory_space<semaphore_mem>>) src(%dma_wait3A_184 : memref<200x128xf32, #tpu.memory_space<vmem>>) dst(%dma_wait3A_187 : memref<2048x128xf32, #tpu.memory_space<vmem_shared>>)
          %add3A_188 = arith.constant 4 : i32
          %add3A_189 = arith.addi %add3A_144, %add3A_188 : i32
          %sub3A = arith.constant 1 : i32
          %sub3A_190 = arith.subi %add3A_189, %sub3A : i32
          %lt3A_191 = arith.cmpi slt, %sub3A_190, %select_n3A : i32
          %convert_element_type3A_192 = arith.extui %lt3A_191 : i1 to i32
          %cond3A_193 = arith.constant 0 : i32
          %cond3A_194 = arith.cmpi ne, %convert_element_type3A_192, %cond3A_193 : i32
          scf.if %cond3A_194 {
            %add3A_195 = arith.addi %add3A_4, %sub3A_190 : i32
            %mul3A_196 = arith.constant 200 : i32
            %mul3A_197 = arith.muli %add3A_195, %mul3A_196 : i32
            %dma_start3A_198 = arith.constant 2 : i32
            %dma_start3A_199 = arith.constant 0 : i32
            %dma_start3A_200 = arith.constant 0 : i32
            %dma_start3A_201 = tpu.memref_slice %arg5[%dma_start3A_198, %dma_start3A_199, %dma_start3A_200] : memref<4x200x128xf32, #tpu.memory_space<vmem>> -> memref<1x200x128xf32, #tpu.memory_space<vmem>>
            %dma_start3A_202 = tpu.memref_squeeze %dma_start3A_201 : memref<1x200x128xf32, #tpu.memory_space<vmem>> -> memref<200x128xf32, #tpu.memory_space<vmem>>
            %dma_start3A_203 = arith.constant 0 : i32
            %dma_start3A_204 = tpu.memref_slice %arg2[%mul3A_197, %dma_start3A_203] : memref<100000x128xf32, #tpu.memory_space<hbm>> -> memref<200x128xf32, #tpu.memory_space<hbm>>
            %dma_start3A_205 = arith.constant 0 : i32
            %dma_start3A_206 = arith.constant 0 : i32
            %dma_start3A_207 = tpu.memref_slice %arg5[%dma_start3A_198, %dma_start3A_205, %dma_start3A_206] : memref<4x200x128xf32, #tpu.memory_space<vmem>> -> memref<1x200x128xf32, #tpu.memory_space<vmem>>
            %dma_start3A_208 = tpu.memref_squeeze %dma_start3A_207 : memref<1x200x128xf32, #tpu.memory_space<vmem>> -> memref<200x128xf32, #tpu.memory_space<vmem>>
            %dma_start3A_209 = arith.constant 0 : i32
            %dma_start3A_210 = tpu.memref_slice %arg2[%mul3A_197, %dma_start3A_209] : memref<100000x128xf32, #tpu.memory_space<hbm>> -> memref<200x128xf32, #tpu.memory_space<hbm>>
            tpu.enqueue_dma source(%dma_start3A_210 : memref<200x128xf32, #tpu.memory_space<hbm>>) target(%dma_start3A_208 : memref<200x128xf32, #tpu.memory_space<vmem>>) target_semaphore(%arg14 : memref<!tpu.dma_semaphore, #tpu.memory_space<semaphore_mem>>)
            %dma_start3A_211 = tpu.memref_slice %arg3[%mul3A_197] : memref<100000xi32, #tpu.memory_space<hbm>> -> memref<200xi32, #tpu.memory_space<hbm>>
            %dma_start3A_212 = tpu.memref_slice %arg3[%mul3A_197] : memref<100000xi32, #tpu.memory_space<hbm>> -> memref<200xi32, #tpu.memory_space<hbm>>
            tpu.enqueue_dma source(%dma_start3A_212 : memref<200xi32, #tpu.memory_space<hbm>>) target(%arg8 : memref<200xi32, #tpu.memory_space<vmem>>) target_semaphore(%arg14 : memref<!tpu.dma_semaphore, #tpu.memory_space<semaphore_mem>>)
          } else {
          }
        } else {
        }
      } else {
      }
      %scan3A_149 = arith.constant 0 : i32
      scf.yield %scan3A_149 : i32
    }
    %scan3A_102 = arith.constant 4 : i32
    %eq3A = arith.constant 16 : i32
    %eq3A_103 = arith.cmpi eq, %select_n3A, %eq3A : i32
    %convert_element_type3A = arith.extui %eq3A_103 : i1 to i32
    %cond3A = arith.constant 0 : i32
    %cond3A_104 = arith.cmpi ne, %convert_element_type3A, %cond3A : i32
    scf.if %cond3A_104 {
      %dma_wait3A = arith.constant 3 : i32
      %dma_wait3A_115 = arith.constant 0 : i32
      %dma_wait3A_116 = arith.constant 0 : i32
      %dma_wait3A_117 = tpu.memref_slice %arg5[%dma_wait3A, %dma_wait3A_115, %dma_wait3A_116] : memref<4x200x128xf32, #tpu.memory_space<vmem>> -> memref<1x200x128xf32, #tpu.memory_space<vmem>>
      %dma_wait3A_118 = tpu.memref_squeeze %dma_wait3A_117 : memref<1x200x128xf32, #tpu.memory_space<vmem>> -> memref<200x128xf32, #tpu.memory_space<vmem>>
      %dma_wait3A_119 = arith.constant 0 : i32
      %dma_wait3A_120 = arith.constant 0 : i32
      %dma_wait3A_121 = tpu.memref_slice %arg11[%dma_wait3A_119, %dma_wait3A_120] : memref<2048x128xf32, #tpu.memory_space<vmem_shared>> -> memref<2048x128xf32, #tpu.memory_space<vmem_shared>>
      tpu.wait_indirect_dma semaphore(%arg19 : memref<!tpu.dma_semaphore, #tpu.memory_space<semaphore_mem>>) src(%dma_wait3A_118 : memref<200x128xf32, #tpu.memory_space<vmem>>) dst(%dma_wait3A_121 : memref<2048x128xf32, #tpu.memory_space<vmem_shared>>)
    } else {
    }
    %eq3A_105 = arith.constant 15 : i32
    %eq3A_106 = arith.cmpi eq, %select_n3A, %eq3A_105 : i32
    %convert_element_type3A_107 = arith.extui %eq3A_106 : i1 to i32
    %cond3A_108 = arith.constant 0 : i32
    %cond3A_109 = arith.cmpi ne, %convert_element_type3A_107, %cond3A_108 : i32
    scf.if %cond3A_109 {
      %dma_wait3A = arith.constant 2 : i32
      %dma_wait3A_115 = arith.constant 0 : i32
      %dma_wait3A_116 = arith.constant 0 : i32
      %dma_wait3A_117 = tpu.memref_slice %arg5[%dma_wait3A, %dma_wait3A_115, %dma_wait3A_116] : memref<4x200x128xf32, #tpu.memory_space<vmem>> -> memref<1x200x128xf32, #tpu.memory_space<vmem>>
      %dma_wait3A_118 = tpu.memref_squeeze %dma_wait3A_117 : memref<1x200x128xf32, #tpu.memory_space<vmem>> -> memref<200x128xf32, #tpu.memory_space<vmem>>
      %dma_wait3A_119 = arith.constant 0 : i32
      %dma_wait3A_120 = arith.constant 0 : i32
      %dma_wait3A_121 = tpu.memref_slice %arg11[%dma_wait3A_119, %dma_wait3A_120] : memref<2048x128xf32, #tpu.memory_space<vmem_shared>> -> memref<2048x128xf32, #tpu.memory_space<vmem_shared>>
      tpu.wait_indirect_dma semaphore(%arg18 : memref<!tpu.dma_semaphore, #tpu.memory_space<semaphore_mem>>) src(%dma_wait3A_118 : memref<200x128xf32, #tpu.memory_space<vmem>>) dst(%dma_wait3A_121 : memref<2048x128xf32, #tpu.memory_space<vmem_shared>>)
    } else {
    }
    %barrier3A_110 = arith.constant 0 : index
    tpu.barrier barrier_id(%barrier3A_110)
    %mul3A_111 = arith.constant 128 : i32
    %mul3A_112 = arith.muli %arg1, %mul3A_111 : i32
    %mul3A_113 = arith.constant 128 : i32
    %mul3A_114 = arith.muli %arg1, %mul3A_113 : i32
    "tpu.region"() ({
      %run_scoped3A = tpu.sem_alloc : memref<!tpu.dma_semaphore, #tpu.memory_space<semaphore_mem>>
      %dma_start3A_115 = arith.constant 0 : i32
      %dma_start3A_116 = tpu.memref_slice %arg4[%arg0, %mul3A_114, %dma_start3A_115] : memref<2x2048x128xf32, #tpu.memory_space<hbm>> -> memref<1x128x128xf32, #tpu.memory_space<hbm>>
      %dma_start3A_117 = tpu.memref_squeeze %dma_start3A_116 : memref<1x128x128xf32, #tpu.memory_space<hbm>> -> memref<128x128xf32, #tpu.memory_space<hbm>>
      %dma_start3A_118 = arith.constant 0 : i32
      %dma_start3A_119 = tpu.memref_slice %arg11[%mul3A_112, %dma_start3A_118] : memref<2048x128xf32, #tpu.memory_space<vmem_shared>> -> memref<128x128xf32, #tpu.memory_space<vmem_shared>>
      tpu.enqueue_dma source(%dma_start3A_119 : memref<128x128xf32, #tpu.memory_space<vmem_shared>>) target(%dma_start3A_117 : memref<128x128xf32, #tpu.memory_space<hbm>>) target_semaphore(%run_scoped3A : memref<!tpu.dma_semaphore, #tpu.memory_space<semaphore_mem>>)
      %dma_wait3A = arith.constant 0 : i32
      %dma_wait3A_120 = tpu.memref_slice %arg4[%arg0, %mul3A_114, %dma_wait3A] : memref<2x2048x128xf32, #tpu.memory_space<hbm>> -> memref<1x128x128xf32, #tpu.memory_space<hbm>>
      %dma_wait3A_121 = tpu.memref_squeeze %dma_wait3A_120 : memref<1x128x128xf32, #tpu.memory_space<hbm>> -> memref<128x128xf32, #tpu.memory_space<hbm>>
      %dma_wait3A_122 = arith.constant 0 : i32
      %dma_wait3A_123 = tpu.memref_slice %arg11[%mul3A_112, %dma_wait3A_122] : memref<2048x128xf32, #tpu.memory_space<vmem_shared>> -> memref<128x128xf32, #tpu.memory_space<vmem_shared>>
      tpu.wait_dma2 semaphore(%run_scoped3A : memref<!tpu.dma_semaphore, #tpu.memory_space<semaphore_mem>>) src(%dma_wait3A_123 : memref<128x128xf32, #tpu.memory_space<vmem_shared>>) dst(%dma_wait3A_121 : memref<128x128xf32, #tpu.memory_space<hbm>>)
      tpu.yield
    }) : () -> ()
    return
  }
}

module attributes {stable_mosaic.version = 14 : i64} {
  func.func @head(%arg0: memref<2x2048x128xf32, #tpu.memory_space<vmem>>, %arg1: memref<2048x1xf32, #tpu.memory_space<vmem>>, %arg2: memref<2048x1xf32, #tpu.memory_space<vmem>>, %arg3: memref<130x64xf32, #tpu.memory_space<vmem>>, %arg4: memref<1x64xf32, #tpu.memory_space<vmem>>, %arg5: memref<64x128xf32, #tpu.memory_space<vmem>>, %arg6: memref<1x128xf32, #tpu.memory_space<vmem>>, %arg7: memref<2048x128xf32, #tpu.memory_space<vmem>>) attributes {dimension_semantics = [], scalar_prefetch = 0 : i64, scratch_operands = 0 : i64, tpu.core_type = #tpu.core_type<tc>} {
    %get3A = arith.constant 0 : index
    %get3A_0 = arith.constant 0 : index
    %get3A_1 = arith.constant 0 : index
    %get3A_2 = vector.load %arg0[%get3A, %get3A_0, %get3A_1] : memref<2x2048x128xf32, #tpu.memory_space<vmem>>, vector<1x2048x128xf32>
    %get3A_3 = vector.shape_cast %get3A_2 : vector<1x2048x128xf32> to vector<2048x128xf32>
    %get3A_4 = arith.constant 1 : index
    %get3A_5 = arith.constant 0 : index
    %get3A_6 = arith.constant 0 : index
    %get3A_7 = vector.load %arg0[%get3A_4, %get3A_5, %get3A_6] : memref<2x2048x128xf32, #tpu.memory_space<vmem>>, vector<1x2048x128xf32>
    %get3A_8 = vector.shape_cast %get3A_7 : vector<1x2048x128xf32> to vector<2048x128xf32>
    %add3A = arith.addf %get3A_3, %get3A_8 : vector<2048x128xf32>
    %get3A_9 = arith.constant 0 : index
    %get3A_10 = arith.constant 0 : index
    %get3A_11 = vector.load %arg3[%get3A_9, %get3A_10] : memref<130x64xf32, #tpu.memory_space<vmem>>, vector<128x64xf32>
    %dot_general3A = arith.constant dense<0.000000e+00> : vector<2048x64xf32>
    %dot_general3A_12 = tpu.matmul %add3A, %get3A_11, %dot_general3A {dimension_numbers = #tpu.dot_dimension_numbers<[1], [0], [0], [1], [0, 0, 1, 1], [], []>, transpose_lhs_hint = false} : vector<2048x128xf32>, vector<128x64xf32>, vector<2048x64xf32> -> vector<2048x64xf32>
    %get3A_13 = arith.constant 0 : index
    %get3A_14 = arith.constant 0 : index
    %get3A_15 = vector.load %arg1[%get3A_13, %get3A_14] : memref<2048x1xf32, #tpu.memory_space<vmem>>, vector<2048x1xf32>
    %get3A_16 = arith.constant 128 : index
    %get3A_17 = arith.constant 0 : index
    %get3A_18 = vector.load %arg3[%get3A_16, %get3A_17] : memref<130x64xf32, #tpu.memory_space<vmem>>, vector<1x64xf32>
    %mul3A = vector.broadcast %get3A_15 : vector<2048x1xf32> to vector<2048x64xf32>
    %mul3A_19 = vector.broadcast %get3A_18 : vector<1x64xf32> to vector<2048x64xf32>
    %mul3A_20 = arith.mulf %mul3A, %mul3A_19 : vector<2048x64xf32>
    %add3A_21 = arith.addf %dot_general3A_12, %mul3A_20 : vector<2048x64xf32>
    %get3A_22 = arith.constant 0 : index
    %get3A_23 = arith.constant 0 : index
    %get3A_24 = vector.load %arg2[%get3A_22, %get3A_23] : memref<2048x1xf32, #tpu.memory_space<vmem>>, vector<2048x1xf32>
    %get3A_25 = arith.constant 129 : index
    %get3A_26 = arith.constant 0 : index
    %get3A_27 = vector.load %arg3[%get3A_25, %get3A_26] : memref<130x64xf32, #tpu.memory_space<vmem>>, vector<1x64xf32>
    %mul3A_28 = vector.broadcast %get3A_24 : vector<2048x1xf32> to vector<2048x64xf32>
    %mul3A_29 = vector.broadcast %get3A_27 : vector<1x64xf32> to vector<2048x64xf32>
    %mul3A_30 = arith.mulf %mul3A_28, %mul3A_29 : vector<2048x64xf32>
    %add3A_31 = arith.addf %add3A_21, %mul3A_30 : vector<2048x64xf32>
    %get3A_32 = arith.constant 0 : index
    %get3A_33 = arith.constant 0 : index
    %get3A_34 = vector.load %arg4[%get3A_32, %get3A_33] : memref<1x64xf32, #tpu.memory_space<vmem>>, vector<1x64xf32>
    %add3A_35 = vector.broadcast %get3A_34 : vector<1x64xf32> to vector<2048x64xf32>
    %add3A_36 = arith.addf %add3A_31, %add3A_35 : vector<2048x64xf32>
    %ge3A = arith.constant 0.000000e+00 : f32
    %ge3A_37 = vector.broadcast %ge3A : f32 to vector<2048x64xf32>
    %ge3A_38 = arith.cmpf oge, %add3A_36, %ge3A_37 : vector<2048x64xf32>
    %mul3A_39 = arith.constant 0.00999999977 : f32
    %mul3A_40 = vector.broadcast %mul3A_39 : f32 to vector<2048x64xf32>
    %mul3A_41 = arith.mulf %mul3A_40, %add3A_36 : vector<2048x64xf32>
    %select_n3A = arith.select %ge3A_38, %add3A_36, %mul3A_41 : vector<2048x64xi1>, vector<2048x64xf32>
    %get3A_42 = arith.constant 0 : index
    %get3A_43 = arith.constant 0 : index
    %get3A_44 = vector.load %arg5[%get3A_42, %get3A_43] : memref<64x128xf32, #tpu.memory_space<vmem>>, vector<64x128xf32>
    %dot_general3A_45 = arith.constant dense<0.000000e+00> : vector<2048x128xf32>
    %dot_general3A_46 = tpu.matmul %select_n3A, %get3A_44, %dot_general3A_45 {dimension_numbers = #tpu.dot_dimension_numbers<[1], [0], [0], [1], [0, 0, 1, 1], [], []>, transpose_lhs_hint = false} : vector<2048x64xf32>, vector<64x128xf32>, vector<2048x128xf32> -> vector<2048x128xf32>
    %get3A_47 = arith.constant 0 : index
    %get3A_48 = arith.constant 0 : index
    %get3A_49 = vector.load %arg6[%get3A_47, %get3A_48] : memref<1x128xf32, #tpu.memory_space<vmem>>, vector<1x128xf32>
    %add3A_50 = vector.broadcast %get3A_49 : vector<1x128xf32> to vector<2048x128xf32>
    %add3A_51 = arith.addf %dot_general3A_46, %add3A_50 : vector<2048x128xf32>
    %swap3A = arith.constant 0 : index
    %swap3A_52 = arith.constant 0 : index
    %swap3A_53 = vector.load %arg7[%swap3A, %swap3A_52] : memref<2048x128xf32, #tpu.memory_space<vmem>>, vector<2048x128xf32>
    tpu.vector_store %arg7[%swap3A, %swap3A_52], %add3A_51 {strides = array<i32>} : memref<2048x128xf32, #tpu.memory_space<vmem>>, vector<2048x128xf32>,
    return
  }
}

</mosaic_0001>

<sc_bundles>
// kernel: kernel.4.cloned.1.call-start
scs
__scs_entry_jumppad:
0x0: {  	(pc) =	sbr.rel $0x88, $3  }
0x1: {  	(tag) =	ssettag $0x0;
	lr =	simm.s32 $0x1  }
0x2: {  	[smem:$0x3F99] =	sst lr;
	_ =	strace $0xD0000000  }
0x3: {  	_ = 	snop  }
0x4: {  	_ = 	snop  }
0x5: {  	_ = 	snop  }
0x6: {  	_ = 	snop  }
0x7: {  	_ = 	snop  }
__scs_overlays_trampoline_lowered:
0x8: {  	[smem:$0x3FA8] =	sst s0  }
0x9: {  	[smem:$0x3FA9] =	sst s1  }
0xa: {  	[smem:$0x3FAA] =	sst s2  }
0xb: {  	[smem:$0x3FAB] =	sst s3  }
0xc: {  	[smem:$0x3FAC] =	sst s4  }
0xd: {  	[smem:$0x3FAD] =	sst s5  }
0xe: {  	[smem:$0x3FAE] =	sst s6  }
0xf: {  	[smem:$0x3FAF] =	sst s7  }
0x10: {  	[smem:$0x3FB0] =	sst s8  }
0x11: {  	[smem:$0x3FB1] =	sst s9;
	s0 =	simm.s32 @!p0 $0x0  }
0x12: {  	s1 =	sld [smem:$0x3F97];
	s0 =	simm.s32 @p0 $0x1  }
0x13: {  	[smem:$0x3FB2] =	sst s0;
	s0 =	simm.s32 @!p1 $0x0  }
0x14: {  	s2 =	sld [smem:$0x3F96];
	s0 =	simm.s32 @p1 $0x1  }
0x15: {  	[smem:$0x3FB3] =	sst s0;
	s0 =	simm.s32 @!p2 $0x0  }
0x16: {  	s3 =	sld [smem:$0x3FDB];
	s0 =	simm.s32 @p2 $0x1  }
0x17: {  	s4 =	simm.s32 $0x1BF5;
	[smem:$0x3FB5] =	sst s0  }
0x18: {  	s0 =	sld [smem:$0x3F98];
	_ =	swait.ge [sflag:s4], $0x0  }
0x19: {  	s7 =	sld [smem:$0x3F99]  }
0x1a: {  	s8 =	sadd.s32 $0xFFFFE003, lr  }
0x1b: {  	s9 =	sadd.s32 $0xFFFFFEF7, lr;
	s5 =	simm.s32 $0xFFFFFFFF;
	p2 =	slt.u32 s8, $0xFFFFF086  }
0x1c: {  	p1 =	slt.u32 s9, $0xF7A;
	s5 =	simm.s32 @!p2 $0x0  }
0x1d: {  	s5 =	simm.s32 @p1 $0x1;
	p0 =	seq.s32 s7, s2  }
0x1e: {  	s7 =	smul.u32 @!p0 $0xF7A, s2;
	p2 =	seq.s32 @!p0 s5, $0x0  }
0x1f: {  	s9 =	smul.u32 $0xF7A, s1;
	s8 =	simm.s32 @!p0 $0x1BF5;
	p2 =	por !p2, p0  }
0x20: {  	[sflag:s8] =	ssyncset.s32 @!p0 $0xFFFFF086;
	s6 =	sadd.s32 @!p0 s3, s7;
	s7 =	simm.s32 @!p0 $0x108  }
0x21: {  	s3 =	sadd.s32 s3, s9;
	s6 =	sadd.s32 @!p0 $0x88, s6;
	s7 =	simm.s32 @p2 $0x1082  }
0x22: {  	[simem:s7], [sflag:s8] =	dma.local @!p0 [hbm:s6], $0xF7A  }
0x23: {  	s9 =	sor.u32 $0xD0000000, s2;
	s6 =	simm.s32 $0x108;
	_ =	swait.ge @!p0 [sflag:s8], $0x0  }
0x24: {  	s3 =	sadd.s32 $0x88, s3;
	s6 =	simm.s32 @!p1 $0x1082;
	[sflag:s4] =	ssyncset.s32 $0xFFFFF086  }
0x25: {  	[simem:s6], [sflag:s4] =	dma.local [hbm:s3], $0xF7A  }
0x26: {  	[smem:$0x3F99] =	sst s1;
	(tag) =	ssettag s2;
	_ =	strace s9  }
0x27: {  	s1 =	sld [smem:$0x3FA9]  }
0x28: {  	s2 =	sld [smem:$0x3FAA]  }
0x29: {  	s4 =	sld [smem:$0x3FAC]  }
0x2a: {  	p0 =	seq.s32 s5, $0x0;
	s5 =	sld [smem:$0x3FAD]  }
0x2b: {  	s6 =	sld [smem:$0x3FAE]  }
0x2c: {  	s7 =	sld [smem:$0x3FAF]  }
0x2d: {  	s3 =	simm.s32 $0x108;
	s8 =	sld [smem:$0x3FB0]  }
0x2e: {  	s3 =	simm.s32 @!p0 $0x1082;
	s9 =	sld [smem:$0x3FB1]  }
0x2f: {  	lr =	sadd.s32 s0, s3;
	s0 =	sld [smem:$0x3FA8]  }
0x30: {  	s3 =	sld [smem:$0x3FAB]  }
0x31: {  	[smem:$0x3FB4] =	sst s10  }
0x32: {  	s10 =	sld [smem:$0x3FB2];
	_ =	sdelay $0x3  }
0x33: {  	p0 =	seq.s32 s10, $0x1;
	s10 =	sld [smem:$0x3FB4];
	_ =	sdelay $0x3  }
0x34: {  	[smem:$0x3FB4] =	sst s10  }
0x35: {  	s10 =	sld [smem:$0x3FB3];
	_ =	sdelay $0x3  }
0x36: {  	p1 =	seq.s32 s10, $0x1;
	s10 =	sld [smem:$0x3FB4];
	_ =	sdelay $0x3  }
0x37: {  	[smem:$0x3FB4] =	sst s10  }
0x38: {  	s10 =	sld [smem:$0x3FB5]  }
0x39: {  	_ = 	snop;
	(pc) =	sbr.ind lr, $3  }
0x3a: {  	_ = 	snop  }
0x3b: {  	_ = 	snop  }
0x3c: {  	p2 =	seq.s32 s10, $0x1;
	s10 =	sld [smem:$0x3FB4]  }
0x3d: {  	_ =	shalt  }
0x3e: {  	_ =	shalt  }
0x3f: {  	_ =	shalt  }
0x40: {  	_ =	shalt  }
0x41: {  	_ =	shalt  }
0x42: {  	_ =	shalt  }
0x43: {  	_ =	shalt  }
0x44: {  	_ =	shalt  }
0x45: {  	_ =	shalt  }
0x46: {  	_ =	shalt  }
0x47: {  	_ =	shalt  }
0x48: {  	_ =	shalt  }
0x49: {  	_ =	shalt  }
0x4a: {  	_ =	shalt  }
0x4b: {  	_ =	shalt  }
0x4c: {  	_ =	shalt  }
0x4d: {  	_ =	shalt  }
0x4e: {  	_ =	shalt  }
0x4f: {  	_ =	shalt  }
0x50: {  	_ =	shalt  }
0x51: {  	_ =	shalt  }
0x52: {  	_ =	shalt  }
0x53: {  	_ =	shalt  }
0x54: {  	_ =	shalt  }
0x55: {  	_ =	shalt  }
0x56: {  	_ =	shalt  }
0x57: {  	_ =	shalt  }
0x58: {  	_ =	shalt  }
0x59: {  	_ =	shalt  }
0x5a: {  	_ =	shalt  }
0x5b: {  	_ =	shalt  }
0x5c: {  	_ =	shalt  }
0x5d: {  	_ =	shalt  }
0x5e: {  	_ =	shalt  }
0x5f: {  	_ =	shalt  }
0x60: {  	_ =	shalt  }
0x61: {  	_ =	shalt  }
0x62: {  	_ =	shalt  }
0x63: {  	_ =	shalt  }
0x64: {  	_ =	shalt  }
0x65: {  	_ =	shalt  }
0x66: {  	_ =	shalt  }
0x67: {  	_ =	shalt  }
0x68: {  	_ =	shalt  }
0x69: {  	_ =	shalt  }
0x6a: {  	_ =	shalt  }
0x6b: {  	_ =	shalt  }
0x6c: {  	_ =	shalt  }
0x6d: {  	_ =	shalt  }
0x6e: {  	_ =	shalt  }
0x6f: {  	_ =	shalt  }
0x70: {  	_ =	shalt  }
0x71: {  	_ =	shalt  }
0x72: {  	_ =	shalt  }
0x73: {  	_ =	shalt  }
0x74: {  	_ =	shalt  }
0x75: {  	_ =	shalt  }
0x76: {  	_ =	shalt  }
0x77: {  	_ =	shalt  }
0x78: {  	_ =	shalt  }
0x79: {  	_ =	shalt  }
0x7a: {  	_ =	shalt  }
0x7b: {  	_ =	shalt  }
0x7c: {  	_ =	shalt  }
0x7d: {  	_ =	shalt  }
0x7e: {  	_ =	shalt  }
0x7f: {  	_ =	shalt  }
0x80: {  	_ =	shalt  }
0x81: {  	_ =	shalt  }
0x82: {  	_ =	shalt  }
0x83: {  	_ =	shalt  }
0x84: {  	_ =	shalt  }
0x85: {  	_ =	shalt  }
0x86: {  	_ =	shalt  }
0x87: {  	_ =	shalt  }
.Lfunc_end0:
.L_simem_size_0:
called_computation_lowered:
.L_overlay_start_0:
0x88: {  	s2 =	sld [smem:$0x3FD9]  }
0x89: {  	s3 =	sld [smem:$0x3FFE];
	_ =	sdelay $0x1  }
0x8a: {  	s1 =	srdreg.scid  }
0x8b: {  	s0 =	sand.u32 $0x1, s1  }
0x8c: {  	s17 =	sshll.u32 s0, $0xA;
	s2 =	sadd.s32 s3, s2  }
0x8d: {  	s2 =	sadd.s32 s2, s17  }
0x8e: {  	[smem:$0x3FC0] =	sst s2  }
0x8f: {  	_ = 	snop  }
0x90: {  	s2 =	sld [smem:$0x3FC9]  }
0x91: {  	s18 =	sld [smem:$0x3FC8];
	(tm) =	ssettm $0x1  }
0x92: {  	s4 =	sld [smem:$0x3FFB];
	_ =	sdelay $0x3  }
0x93: {  	_ =	strace s4  }
0x94: {  	s4 =	sld [smem:$0x3FFC];
	_ =	sdelay $0x3  }
0x95: {  	_ =	strace s4  }
0x96: {  	s4 =	sld [smem:$0x3FFD];
	_ =	sdelay $0x3  }
0x97: {  	_ =	strace s4  }
0x98: {  	_ =	strace $0x8FFFFFFF  }
0x99: {  	s19 =	sld [smem:$0x3FDB];
	_ =	sdelay $0x1  }
0x9a: {  	s5 =	simm.s32 $_scs_section_size  }
0x9b: {  	s6 =	simm.s32 $_size__tile_overlayer_lowered;
	s7 =	simm.s32 $_tile_overlayer_lowered  }
0x9c: {  	s22 =	simm.s32 $0x1BFF;
	s21 =	sshll.u32 s7, $0x1;
	s4 =	sadd.s32 s5, s19  }
0x9d: {  	s8 =	simm.s32 $0x0;
	s20 =	sshll.u32 s6, $0x1;
	s6 =	sadd.s32 s21, s4  }
0x9e: {  	[timem:s8], [sflag:s22] =	dma.local [hbm:s6], s20  }
0x9f: {  	_ =	swait.ge [sflag:s22], s20  }
0xa0: {  	s5 =	ssub.s32 $0x0, s20;
	[sflag:s22] =	ssyncset.done $0x0  }
0xa1: {  	[sflag:s22] =	ssyncadd.s32 s5;
	_ =	sdelay $0x1  }
0xa2: {  	s23 =	simm.s32 $0x1B8B  }
0xa3: {  	_ =	swait.ge [sflag:s23], $0x1  }
0xa4: {  	[sflag:s23] =	ssyncset.done $0x0  }
0xa5: {  	s25 =	simm.s32 $0x1B8E;
	s24 =	sld [smem:$0x3FFE];
	[sflag:s23] =	ssyncadd.s32 $0xFFFFFFFF  }
0xa6: {  	s26 =	simm.s32 $execute0_lowered;
	[smem:$0x3FD2] =	sst s25  }
0xa7: {  	s6 =	sshll.u32 s26, $0x1;
	_ =	strace $0x80000046;
	[dreg:$0x1] =	wrdreg $0xFFFFFFFF  }
0xa8: {  	s28 =	simm.s32 $_size_execute0_lowered;
	s4 =	sadd.s32 s4, s6;
	[dreg:$0x0] =	wrdreg $0x0  }
0xa9: {  	s6 =	sshll.u32 s28, $0x1;
	[dreg:$0x2] =	wrdreg s4  }
0xaa: {  	[dreg:$0x3] =	wrdreg s6  }
0xab: {  	[dreg:$0x4] =	wrdreg $0xC0  }
0xac: {  	_ =	task [dreg:s8], $0x5FFFF  }
0xad: {  	[dreg:$0x1] =	wrdreg $0xFFFFFFFF  }
0xae: {  	[dreg:$0x0] =	wrdreg $0x60  }
0xaf: {  	[dreg:$0x2] =	wrdreg s2  }
0xb0: {  	[dreg:$0x3] =	wrdreg s18  }
0xb1: {  	[dreg:$0x4] =	wrdreg s24  }
0xb2: {  	[dreg:$0x5] =	wrdreg $0x198000  }
0xb3: {  	[dreg:$0x6] =	wrdreg $0x9  }
0xb4: {  	_ =	task.clear_ibuf [dreg:s8], $0x7FFFF;
	_ =	strace $0x90000046  }
0xb5: {  	s29 =	simm.s32 $0x9;
	_ =	strace $0x80000048  }
0xb6: {  	_ =	swait.ge [sflag:s29], $0x1  }
0xb7: {  	[sflag:s29] =	ssyncadd.s32 $0xFFFFFFFF  }
0xb8: {  	_ =	strace $0x90000048  }
0xb9: {  	_ =	sfence  }
0xba: {  	s30 =	sld [smem:$0x0];
	_ =	sdelay $0x2  }
0xbb: {  	s31 =	sshll.u32 s1, $0xD;
	s1 =	sshrl.u32 s1, $0x2  }
0xbc: {  	s3 =	sand.u32 $0x4000, s31;
	s1 =	sadd.s32 s1, s30  }
0xbd: {  	s0 =	sor.u32 s3, s0;
	s1 =	sshll.u32 s1, $0x11  }
0xbe: {  	s0 =	sor.u32 s1, s0  }
0xbf: {  	s0 =	sadd.s32 $0x8F2B, s0  }
0xc0: {  	[sflag:s0] =	ssyncadd.remote.s32 $0x1  }
0xc1: {  	_ =	sfence.sel $0xFFFF  }
0xc2: {  	[dreg:$0x0] =	wrdreg $0xFFFFFFFF;
	(pc) =	sbr.abs _section_cstart, $3  }
0xc3: {  	[dreg:$0x1] =	wrdreg $0xFFFFFFFF  }
0xc4: {  	_ =	task.clear_ibuf [dreg:s8], $0x2FFFF;
	_ =	strace $0x9FFFFFFF  }
0xc5: {  	(tm) =	ssettm $0x7FFFFFFF  }
tec
execute0_lowered:
.L_overlay_start_1:
0x0: {  	(tag) =	ssettag $0x1  }
0x1: {  	s0 =	rddreg [dreg:$0x0]  }
0x2: {  	s1 =	rddreg [dreg:$0x1]  }
0x3: {  	s14 =	stileid.u32;
	s2 =	srdreg.scid  }
0x4: {  	s4 =	rddreg [dreg:$0x2];
	s5 =	sand.u32 $0x1, s2;
	s3 =	sshll.u32 s14, $0x1  }
0x5: {  	s2 =	rddreg [dreg:$0x3];
	s8 =	sshll.u32 s14, $0xB;
	p0 =	slt.u32 s14, $0xA  }
0x6: {  	s24 =	sshll.u32 s14, $0xE;
	s6 =	sor.u32 s5, s3;
	s3 =	simm.s32 $0x0  }
0x7: {  	s9 =	ssub.s32 $0x2, s5;
	s8 =	sadd.s32 s8, s4;
	s7 =	smul.u32 $0xF, s6  }
0x8: {  	s4 =	simm.s32 $0x10;
	[smem:$0x7FF] =	sst s3;
	s6 =	smin.u32 s6, $0x14  }
0x9: {  	s11 =	sshrl.u32 s9, $0x1;
	s4 =	simm.s32 @!p0 $0xF;
	s7 =	sadd.s32 s6, s7  }
0xa: {  	_ =	strace $0x80000047;
	s9 =	ssub.s32 s9, s11;
	s10 =	smul.u32 $0xC80, s7  }
0xb: {  	s25 =	sadd.s32 $0xFFFFFFFF, s4;
	s26 =	sadd.s32 $0xFFFFFFFE, s4;
	s12 =	smul.u32 $0xC8, s7  }
0xc: {  	s11 =	sshll.u32 s5, $0xF;
	[dreg:$0x5] =	wrdreg s25;
	s7 =	smul.u32 $0x19, s7  }
0xd: {  	[dreg:$0x6] =	wrdreg s26;
	s13 =	sadd.s32 $0xC8, s12;
	s10 =	sadd.s32 s0, s10  }
0xe: {  	s7 =	sadd.s32 s1, s7;
	s17 =	sadd.s32 $0x190, s12;
	s19 =	sadd.s32 $0x258, s12  }
0xf: {  	s12 =	sadd.s32 s11, s8;
	s8 =	simm.s32 $0x0;
	[dreg:$0x8] =	wrdreg s10  }
0x10: {  	[dreg:$0x9] =	wrdreg s7;
	s15 =	sshll.u32 s13, $0x4;
	s16 =	sshrl.u32 s13, $0x3  }
0x11: {  	s18 =	sshll.u32 s17, $0x4;
	s20 =	sshrl.u32 s17, $0x3;
	s21 =	sshll.u32 s19, $0x4  }
0x12: {  	s23 =	sshrl.u32 s19, $0x3;
	s13 =	sadd.s32 s24, s2;
	s10 =	sadd.s32 $0xFFFFFFFD, s4  }
0x13: {  	s17 =	smul.u32 $0x177, s5;
	s7 =	sadd.s32 s0, s15;
	[dreg:$0x7] =	wrdreg s10  }
0x14: {  	s5 =	smul.u32 $0xBB80, s5;
	s22 =	sadd.s32 s0, s21;
	[dreg:$0xa] =	wrdreg s7  }
0x15: {  	s15 =	smul.u32 $0x2EE, s14;
	s19 =	sadd.s32 $0x800, s13;
	[dreg:$0xe] =	wrdreg s22  }
0x16: {  	s21 =	sadd.s32 $0xC00, s13;
	s24 =	sadd.s32 $0x1400, s13;
	[dreg:$0x13] =	wrdreg s19  }
0x17: {  	s25 =	sadd.s32 $0x1800, s13;
	s26 =	sadd.s32 $0x1C00, s13;
	[dreg:$0x14] =	wrdreg s21  }
0x18: {  	s28 =	sadd.s32 $0x2400, s13;
	s29 =	sadd.s32 $0x2800, s13;
	[dreg:$0x16] =	wrdreg s24  }
0x19: {  	s30 =	sadd.s32 $0x2C00, s13;
	s31 =	sadd.s32 $0x3000, s13;
	[dreg:$0x17] =	wrdreg s25  }
0x1a: {  	s7 =	sadd.s32 s1, s16;
	s16 =	smax.u32 s9, $0x1;
	[dreg:$0x18] =	wrdreg s26  }
0x1b: {  	s22 =	smul.u32 $0x17700, s14;
	s26 =	sadd.s32 $0x2000, s13;
	[dreg:$0xb] =	wrdreg s7  }
0x1c: {  	s7 =	sadd.s32 s0, s18;
	[dreg:$0x11] =	wrdreg s16;
	s18 =	sadd.s32 $0x400, s13  }
0x1d: {  	[dreg:$0xc] =	wrdreg s7;
	s7 =	sadd.s32 s1, s20;
	s20 =	smul.u32 $0x19, s6  }
0x1e: {  	[dreg:$0x12] =	wrdreg s18;
	s0 =	sadd.s32 s22, s0;
	s6 =	smul.u32 $0xC80, s6  }
0x1f: {  	[dreg:$0xd] =	wrdreg s7;
	s7 =	sadd.s32 s1, s23;
	s1 =	sadd.s32 s15, s1  }
0x20: {  	s23 =	sadd.s32 $0x1000, s13;
	s0 =	sadd.s32 s5, s0;
	s5 =	sadd.s32 $0x3C00, s13  }
0x21: {  	[dreg:$0xf] =	wrdreg s7;
	s7 =	sadd.s32 $0x1200, s12;
	s1 =	sadd.s32 s17, s1  }
0x22: {  	[dreg:$0x15] =	wrdreg s23;
	s0 =	sadd.s32 s6, s0;
	s23 =	simm.s32 $0x8  }
0x23: {  	s6 =	simm.s32 $0x19400;
	[dreg:$0x10] =	wrdreg s7;
	s1 =	sadd.s32 s20, s1  }
0x24: {  	s23 =	simm.s32 @!p0 $0x7;
	s10 =	sadd.s32 $0x4B00, s0;
	s0 =	sadd.s32 $0x3800, s13  }
0x25: {  	v0 =	vimm.f32 $0.0e+00;
	s7 =	simm.s32 $0x9;
	s14 =	sadd.s32 $0x96, s1;
	s1 =	sadd.s32 $0x3400, s13  }
.LBB2_1:
0x26: {  	s9 =	rddreg [dreg:$0x8]  }
0x27: {  	[tilespmem:s3], [sflag:$0x1] =	stream.linear.gather [hbm4b:s9+s3], $0x6400, $0x38;
	[tilespmem:$0x1D800] =	vst v63  }
0x28: {  	s12 =	rddreg [dreg:$0x9];
	s11 =	simm.s32 $0x19000  }
0x29: {  	[tilespmem:s11], [sflag:$0x1] =	stream.linear.gather [hbm4b:s12+s3], $0xC8, $0x38;
	[tilespmem:$0x1D800] =	vst v63  }
0x2a: {  	s15 =	rddreg [dreg:$0xa];
	s16 =	simm.s32 $0x6400  }
0x2b: {  	[tilespmem:s16], [sflag:$0x2] =	stream.linear.gather [hbm4b:s15+s3], $0x6400, $0x38;
	[tilespmem:$0x1D800] =	vst v63  }
0x2c: {  	s17 =	rddreg [dreg:$0xb];
	s18 =	simm.s32 $0x19100  }
0x2d: {  	[tilespmem:s18], [sflag:$0x2] =	stream.linear.gather [hbm4b:s17+s3], $0xC8, $0x38;
	[tilespmem:$0x1D800] =	vst v63  }
0x2e: {  	s19 =	rddreg [dreg:$0xc];
	s20 =	simm.s32 $0xC800  }
0x2f: {  	[tilespmem:s20], [sflag:$0x3] =	stream.linear.gather [hbm4b:s19+s3], $0x6400, $0x38;
	[tilespmem:$0x1D800] =	vst v63  }
0x30: {  	s21 =	rddreg [dreg:$0xd];
	s22 =	simm.s32 $0x19200  }
0x31: {  	[tilespmem:s22], [sflag:$0x3] =	stream.linear.gather [hbm4b:s21+s3], $0xC8, $0x38;
	[tilespmem:$0x1D800] =	vst v63  }
0x32: {  	s24 =	rddreg [dreg:$0xe];
	s25 =	simm.s32 $0x12C00  }
0x33: {  	[tilespmem:s25], [sflag:$0x4] =	stream.linear.gather [hbm4b:s24+s3], $0x6400, $0x38;
	[tilespmem:$0x1D800] =	vst v63  }
0x34: {  	s11 =	rddreg [dreg:$0xf];
	s12 =	simm.s32 $0x19300  }
0x35: {  	[tilespmem:s12], [sflag:$0x4] =	stream.linear.gather [hbm4b:s11+s3], $0xC8, $0x38;
	[tilespmem:$0x1D800] =	vst v63  }
0x36: {  	[tilespmem:$0x19400] =	vst v0  }
0x37: {  	[tilespmem:$0x19410] =	vst v0  }
0x38: {  	[tilespmem:$0x19420] =	vst v0  }
0x39: {  	[tilespmem:$0x19430] =	vst v0  }
0x3a: {  	[tilespmem:$0x19440] =	vst v0  }
0x3b: {  	[tilespmem:$0x19450] =	vst v0  }
0x3c: {  	[tilespmem:$0x19460] =	vst v0  }
0x3d: {  	[tilespmem:$0x19470] =	vst v0  }
0x3e: {  	[tilespmem:$0x19480] =	vst v0  }
0x3f: {  	[tilespmem:$0x19490] =	vst v0  }
0x40: {  	[tilespmem:$0x194A0] =	vst v0  }
0x41: {  	[tilespmem:$0x194B0] =	vst v0  }
0x42: {  	[tilespmem:$0x194C0] =	vst v0  }
0x43: {  	[tilespmem:$0x194D0] =	vst v0  }
0x44: {  	[tilespmem:$0x194E0] =	vst v0  }
0x45: {  	[tilespmem:$0x194F0] =	vst v0  }
0x46: {  	[tilespmem:$0x19500] =	vst v0  }
0x47: {  	[tilespmem:$0x19510] =	vst v0  }
0x48: {  	[tilespmem:$0x19520] =	vst v0  }
0x49: {  	[tilespmem:$0x19530] =	vst v0  }
0x4a: {  	[tilespmem:$0x19540] =	vst v0  }
0x4b: {  	[tilespmem:$0x19550] =	vst v0  }
0x4c: {  	[tilespmem:$0x19560] =	vst v0  }
0x4d: {  	[tilespmem:$0x19570] =	vst v0  }
0x4e: {  	[tilespmem:$0x19580] =	vst v0  }
0x4f: {  	[tilespmem:$0x19590] =	vst v0  }
0x50: {  	[tilespmem:$0x195A0] =	vst v0  }
0x51: {  	[tilespmem:$0x195B0] =	vst v0  }
0x52: {  	[tilespmem:$0x195C0] =	vst v0  }
0x53: {  	[tilespmem:$0x195D0] =	vst v0  }
0x54: {  	[tilespmem:$0x195E0] =	vst v0  }
0x55: {  	[tilespmem:$0x195F0] =	vst v0  }
0x56: {  	[tilespmem:$0x19600] =	vst v0  }
0x57: {  	[tilespmem:$0x19610] =	vst v0  }
0x58: {  	[tilespmem:$0x19620] =	vst v0  }
0x59: {  	[tilespmem:$0x19630] =	vst v0  }
0x5a: {  	[tilespmem:$0x19640] =	vst v0  }
0x5b: {  	[tilespmem:$0x19650] =	vst v0  }
0x5c: {  	[tilespmem:$0x19660] =	vst v0  }
0x5d: {  	[tilespmem:$0x19670] =	vst v0  }
0x5e: {  	[tilespmem:$0x19680] =	vst v0  }
0x5f: {  	[tilespmem:$0x19690] =	vst v0  }
0x60: {  	[tilespmem:$0x196A0] =	vst v0  }
0x61: {  	[tilespmem:$0x196B0] =	vst v0  }
0x62: {  	[tilespmem:$0x196C0] =	vst v0  }
0x63: {  	[tilespmem:$0x196D0] =	vst v0  }
0x64: {  	[tilespmem:$0x196E0] =	vst v0  }
0x65: {  	[tilespmem:$0x196F0] =	vst v0  }
0x66: {  	[tilespmem:$0x19700] =	vst v0  }
0x67: {  	[tilespmem:$0x19710] =	vst v0  }
0x68: {  	[tilespmem:$0x19720] =	vst v0  }
0x69: {  	[tilespmem:$0x19730] =	vst v0  }
0x6a: {  	[tilespmem:$0x19740] =	vst v0  }
0x6b: {  	[tilespmem:$0x19750] =	vst v0  }
0x6c: {  	[tilespmem:$0x19760] =	vst v0  }
0x6d: {  	[tilespmem:$0x19770] =	vst v0  }
0x6e: {  	[tilespmem:$0x19780] =	vst v0  }
0x6f: {  	[tilespmem:$0x19790] =	vst v0  }
0x70: {  	[tilespmem:$0x197A0] =	vst v0  }
0x71: {  	[tilespmem:$0x197B0] =	vst v0  }
0x72: {  	[tilespmem:$0x197C0] =	vst v0  }
0x73: {  	[tilespmem:$0x197D0] =	vst v0  }
0x74: {  	[tilespmem:$0x197E0] =	vst v0  }
0x75: {  	[tilespmem:$0x197F0] =	vst v0  }
0x76: {  	[spmem:s13] =	stream.linear.scatter [tilespmem:s6], [sflag:$0x9], $0x400, $0x38;
	[tilespmem:$0x1D800] =	vst v63  }
0x77: {  	_ =	swait.ge [sflag:s7], $0x400  }
0x78: {  	[sflag:s7] =	ssyncset.done $0x0  }
0x79: {  	s15 =	rddreg [dreg:$0x12];
	[sflag:s7] =	ssyncadd.s32 $0xFFFFFC00  }
0x7a: {  	[spmem:s15] =	stream.linear.scatter [tilespmem:s6], [sflag:$0x9], $0x400, $0x38;
	[tilespmem:$0x1D800] =	vst v63  }
0x7b: {  	_ =	swait.ge [sflag:s7], $0x400  }
0x7c: {  	[sflag:s7] =	ssyncset.done $0x0  }
0x7d: {  	s16 =	rddreg [dreg:$0x13];
	[sflag:s7] =	ssyncadd.s32 $0xFFFFFC00  }
0x7e: {  	[spmem:s16] =	stream.linear.scatter [tilespmem:s6], [sflag:$0x9], $0x400, $0x38;
	[tilespmem:$0x1D800] =	vst v63  }
0x7f: {  	_ =	swait.ge [sflag:s7], $0x400  }
0x80: {  	[sflag:s7] =	ssyncset.done $0x0  }
0x81: {  	s17 =	rddreg [dreg:$0x14];
	[sflag:s7] =	ssyncadd.s32 $0xFFFFFC00  }
0x82: {  	[spmem:s17] =	stream.linear.scatter [tilespmem:s6], [sflag:$0x9], $0x400, $0x38;
	[tilespmem:$0x1D800] =	vst v63  }
0x83: {  	_ =	swait.ge [sflag:s7], $0x400  }
0x84: {  	[sflag:s7] =	ssyncset.done $0x0  }
0x85: {  	s18 =	rddreg [dreg:$0x15];
	[sflag:s7] =	ssyncadd.s32 $0xFFFFFC00  }
0x86: {  	[spmem:s18] =	stream.linear.scatter [tilespmem:s6], [sflag:$0x9], $0x400, $0x38;
	[tilespmem:$0x1D800] =	vst v63  }
0x87: {  	_ =	swait.ge [sflag:s7], $0x400  }
0x88: {  	[sflag:s7] =	ssyncset.done $0x0  }
0x89: {  	s19 =	rddreg [dreg:$0x16];
	[sflag:s7] =	ssyncadd.s32 $0xFFFFFC00  }
0x8a: {  	[spmem:s19] =	stream.linear.scatter [tilespmem:s6], [sflag:$0x9], $0x400, $0x38;
	[tilespmem:$0x1D800] =	vst v63  }
0x8b: {  	_ =	swait.ge [sflag:s7], $0x400  }
0x8c: {  	[sflag:s7] =	ssyncset.done $0x0  }
0x8d: {  	s20 =	rddreg [dreg:$0x17];
	[sflag:s7] =	ssyncadd.s32 $0xFFFFFC00  }
0x8e: {  	[spmem:s20] =	stream.linear.scatter [tilespmem:s6], [sflag:$0x9], $0x400, $0x38;
	[tilespmem:$0x1D800] =	vst v63  }
0x8f: {  	_ =	swait.ge [sflag:s7], $0x400  }
0x90: {  	[sflag:s7] =	ssyncset.done $0x0  }
0x91: {  	s21 =	rddreg [dreg:$0x18];
	[sflag:s7] =	ssyncadd.s32 $0xFFFFFC00  }
0x92: {  	[spmem:s21] =	stream.linear.scatter [tilespmem:s6], [sflag:$0x9], $0x400, $0x38;
	[tilespmem:$0x1D800] =	vst v63  }
0x93: {  	_ =	swait.ge [sflag:s7], $0x400  }
0x94: {  	[sflag:s7] =	ssyncset.done $0x0  }
0x95: {  	[sflag:s7] =	ssyncadd.s32 $0xFFFFFC00  }
0x96: {  	[spmem:s26] =	stream.linear.scatter [tilespmem:s6], [sflag:$0x9], $0x400, $0x38;
	[tilespmem:$0x1D800] =	vst v63  }
0x97: {  	_ =	swait.ge [sflag:s7], $0x400  }
0x98: {  	[sflag:s7] =	ssyncset.done $0x0  }
0x99: {  	[sflag:s7] =	ssyncadd.s32 $0xFFFFFC00  }
0x9a: {  	[spmem:s28] =	stream.linear.scatter [tilespmem:s6], [sflag:$0x9], $0x400, $0x38;
	[tilespmem:$0x1D800] =	vst v63  }
0x9b: {  	_ =	swait.ge [sflag:s7], $0x400  }
0x9c: {  	[sflag:s7] =	ssyncset.done $0x0  }
0x9d: {  	[sflag:s7] =	ssyncadd.s32 $0xFFFFFC00  }
0x9e: {  	[spmem:s29] =	stream.linear.scatter [tilespmem:s6], [sflag:$0x9], $0x400, $0x38;
	[tilespmem:$0x1D800] =	vst v63  }
0x9f: {  	_ =	swait.ge [sflag:s7], $0x400  }
0xa0: {  	[sflag:s7] =	ssyncset.done $0x0  }
0xa1: {  	[sflag:s7] =	ssyncadd.s32 $0xFFFFFC00  }
0xa2: {  	[spmem:s30] =	stream.linear.scatter [tilespmem:s6], [sflag:$0x9], $0x400, $0x38;
	[tilespmem:$0x1D800] =	vst v63  }
0xa3: {  	_ =	swait.ge [sflag:s7], $0x400  }
0xa4: {  	[sflag:s7] =	ssyncset.done $0x0  }
0xa5: {  	[sflag:s7] =	ssyncadd.s32 $0xFFFFFC00  }
0xa6: {  	[spmem:s31] =	stream.linear.scatter [tilespmem:s6], [sflag:$0x9], $0x400, $0x38;
	[tilespmem:$0x1D800] =	vst v63  }
0xa7: {  	_ =	swait.ge [sflag:s7], $0x400  }
0xa8: {  	[sflag:s7] =	ssyncset.done $0x0  }
0xa9: {  	[sflag:s7] =	ssyncadd.s32 $0xFFFFFC00  }
0xaa: {  	[spmem:s1] =	stream.linear.scatter [tilespmem:s6], [sflag:$0x9], $0x400, $0x38;
	[tilespmem:$0x1D800] =	vst v63  }
0xab: {  	_ =	swait.ge [sflag:s7], $0x400  }
0xac: {  	[sflag:s7] =	ssyncset.done $0x0  }
0xad: {  	[sflag:s7] =	ssyncadd.s32 $0xFFFFFC00  }
0xae: {  	[spmem:s0] =	stream.linear.scatter [tilespmem:s6], [sflag:$0x9], $0x400, $0x38;
	[tilespmem:$0x1D800] =	vst v63  }
0xaf: {  	_ =	swait.ge [sflag:s7], $0x400  }
0xb0: {  	[sflag:s7] =	ssyncset.done $0x0  }
0xb1: {  	[sflag:s7] =	ssyncadd.s32 $0xFFFFFC00  }
0xb2: {  	[spmem:s5] =	stream.linear.scatter [tilespmem:s6], [sflag:$0x9], $0x400, $0x38;
	[tilespmem:$0x1D800] =	vst v63  }
0xb3: {  	_ =	swait.ge [sflag:s7], $0x400  }
0xb4: {  	[sflag:s7] =	ssyncset.done $0x0  }
0xb5: {  	p0 =	sle.u32 s4, $0x0;
	[sflag:s7] =	ssyncadd.s32 $0xFFFFFC00  }
0xb6: {  	s9 =	simm.s32 @!p0 $0x1;
	[bflag:$0x0] =	sbarrier.arrive $0xFFFF  }
0xb7: {  	p2 =	por @!p0 $0x1, $0x1;
	_ =	swait.ge @!p0 [sflag:s9], $0x6400  }
0xb8: {  	p1 =	por p2, p0;
	[sflag:s9] =	ssyncset.done @!p0 $0x0  }
0xb9: {  	p3 =	sle.u32 @!p1 s4, $0x3;
	[sflag:s9] =	ssyncadd.s32 @!p0 $0xFFFF9C00  }
0xba: {  	p2 =	por @!p0 p3, p2;
	_ =	swait.ge @!p0 [sflag:s9], $0xC8  }
0xbb: {  	s11 =	simm.s32 @!p0 $0x0;
	s12 =	simm.s32 @!p0 $0x19000;
	[sflag:s9] =	ssyncset.done @!p0 $0x0  }
0xbc: {  	s15 =	simm.s32 @!p0 $0xC8;
	s16 =	simm.s32 @!p1 $0x8;
	[sflag:s9] =	ssyncadd.s32 @!p0 $0xFFFFFF38  }
0xbd: {  	[spmem:s2] =	stream.indirect.scatter.add.f32 @!p0 [tilespmem:s11], [sflag:$0x5], $0x80, s12, s15, $0xb8;
	[tilespmem:$0x1D800] =	vst v63  }
0xbe: {  	p2 =	por p2, p0;
	_ =	swait.ge @!p1 [sflag:s16], $0x6400  }
0xbf: {  	s9 =	sadd.s32 @!p2 $0xFFFFDA80, s10;
	s12 =	simm.s32 @!p2 $0x0;
	[sflag:s16] =	ssyncset.done @!p1 $0x0  }
0xc0: {  	s15 =	simm.s32 @!p2 $0x12C00;
	s22 =	rddreg [dreg:$0x5];
	[sflag:s16] =	ssyncadd.s32 @!p1 $0xFFFF9C00  }
0xc1: {  	[tilespmem:s15], [sflag:$0x4] =	stream.linear.gather @!p2 [hbm4b:s9+s12], $0x6400, $0x38;
	[tilespmem:$0x1D800] =	vst v63  }
0xc2: {  	p0 =	sle.u32 s22, $0x0;
	s9 =	sadd.s32 @!p2 $0xFFFFFFB5, s14;
	s15 =	simm.s32 @!p2 $0x19300  }
0xc3: {  	[tilespmem:s15], [sflag:$0x4] =	stream.linear.gather @!p2 [hbm4b:s9+s12], $0xC8, $0x38;
	[tilespmem:$0x1D800] =	vst v63  }
0xc4: {  	s9 =	simm.s32 @!p0 $0x2  }
0xc5: {  	_ =	swait.ge @!p0 [sflag:s9], $0x6400  }
0xc6: {  	[sflag:s9] =	ssyncset.done @!p0 $0x0  }
0xc7: {  	[sflag:s9] =	ssyncadd.s32 @!p0 $0xFFFF9C00  }
0xc8: {  	s11 =	simm.s32 @!p0 $0x6400;
	_ =	swait.ge @!p0 [sflag:s9], $0xC8  }
0xc9: {  	p1 =	sle.u32 @!p0 s4, $0x4;
	s12 =	simm.s32 @!p0 $0x5;
	[sflag:s9] =	ssyncset.done @!p0 $0x0  }
0xca: {  	s15 =	simm.s32 @!p0 $0x19100;
	[sflag:s9] =	ssyncadd.s32 @!p0 $0xFFFFFF38;
	s9 =	simm.s32 @!p0 $0xC8  }
0xcb: {  	[spmem:s2] =	stream.indirect.scatter.add.f32 @!p0 [tilespmem:s11], [sflag:$0x6], $0x80, s15, s9, $0xb8;
	[tilespmem:$0x1D800] =	vst v63  }
0xcc: {  	p1 =	por p1, p0;
	_ =	swait.ge @!p0 [sflag:s12], $0x6400  }
0xcd: {  	s11 =	sadd.s32 @!p1 $0xFFFFE700, s10;
	[sflag:s12] =	ssyncset.done @!p0 $0x0;
	s24 =	rddreg [dreg:$0x6]  }
0xce: {  	[sflag:s12] =	ssyncadd.s32 @!p0 $0xFFFF9C00;
	s12 =	simm.s32 @!p1 $0x0;
	p0 =	sle.u32 s24, $0x0  }
0xcf: {  	[tilespmem:s12], [sflag:$0x1] =	stream.linear.gather @!p1 [hbm4b:s11+s12], $0x6400, $0x38;
	[tilespmem:$0x1D800] =	vst v63  }
0xd0: {  	s15 =	simm.s32 @!p1 $0x19000;
	s11 =	sadd.s32 @!p1 $0xFFFFFFCE, s14;
	s9 =	simm.s32 @!p0 $0x3  }
0xd1: {  	[tilespmem:s15], [sflag:$0x1] =	stream.linear.gather @!p1 [hbm4b:s11+s12], $0xC8, $0x38;
	[tilespmem:$0x1D800] =	vst v63  }
0xd2: {  	_ =	swait.ge @!p0 [sflag:s9], $0x6400  }
0xd3: {  	[sflag:s9] =	ssyncset.done @!p0 $0x0  }
0xd4: {  	[sflag:s9] =	ssyncadd.s32 @!p0 $0xFFFF9C00  }
0xd5: {  	s11 =	simm.s32 @!p0 $0xC800;
	s12 =	simm.s32 @!p0 $0x6;
	_ =	swait.ge @!p0 [sflag:s9], $0xC8  }
0xd6: {  	s15 =	simm.s32 @!p0 $0x19200;
	p1 =	sle.u32 @!p0 s4, $0x5;
	[sflag:s9] =	ssyncset.done @!p0 $0x0  }
0xd7: {  	p2 =	por p1, p0;
	[sflag:s9] =	ssyncadd.s32 @!p0 $0xFFFFFF38;
	s9 =	simm.s32 @!p0 $0xC8  }
0xd8: {  	[spmem:s2] =	stream.indirect.scatter.add.f32 @!p0 [tilespmem:s11], [sflag:$0x7], $0x80, s15, s9, $0xb8;
	[tilespmem:$0x1D800] =	vst v63  }
0xd9: {  	s24 =	smov.u32 s14;
	s11 =	sadd.s32 @!p2 $0xFFFFF380, s10;
	_ =	swait.ge @!p0 [sflag:s12], $0x6400  }
0xda: {  	s15 =	simm.s32 @!p2 $0x6400;
	[sflag:s12] =	ssyncset.done @!p0 $0x0;
	s25 =	rddreg [dreg:$0x7]  }
0xdb: {  	[sflag:s12] =	ssyncadd.s32 @!p0 $0xFFFF9C00;
	s12 =	simm.s32 @!p2 $0x0;
	p1 =	sle.u32 s25, $0x0  }
0xdc: {  	[tilespmem:s15], [sflag:$0x2] =	stream.linear.gather @!p2 [hbm4b:s11+s12], $0x6400, $0x38;
	[tilespmem:$0x1D800] =	vst v63  }
0xdd: {  	s9 =	sadd.s32 @!p2 $0xFFFFFFE7, s14;
	s11 =	simm.s32 @!p2 $0x19100;
	s17 =	simm.s32 @!p1 $0x4  }
0xde: {  	[tilespmem:s11], [sflag:$0x2] =	stream.linear.gather @!p2 [hbm4b:s9+s12], $0xC8, $0x38;
	[tilespmem:$0x1D800] =	vst v63  }
0xdf: {  	s25 =	smov.u32 s10;
	s18 =	simm.s32 @!p1 $0xC8;
	_ =	swait.ge @!p1 [sflag:s17], $0x6400  }
0xe0: {  	s19 =	simm.s32 @!p1 $0x19300;
	s20 =	simm.s32 @!p1 $0x12C00;
	[sflag:s17] =	ssyncset.done @!p1 $0x0  }
0xe1: {  	p3 =	sle.u32 @!p1 s4, $0x6;
	s9 =	simm.s32 $0xA;
	[sflag:s17] =	ssyncadd.s32 @!p1 $0xFFFF9C00  }
0xe2: {  	s11 =	sadd.s32 $0x3200, s10;
	s12 =	smov.u32 s14;
	_ =	swait.ge @!p1 [sflag:s17], $0xC8  }
.LBB2_2:
0xe3: {  	[sflag:s17] =	ssyncset.done @!p1 $0x0  }
0xe4: {  	s15 =	smov.u32 s9;
	[sflag:s17] =	ssyncadd.s32 @!p1 $0xFFFFFF38;
	s17 =	simm.s32 @!p1 $0x7  }
0xe5: {  	[spmem:s2] =	stream.indirect.scatter.add.f32 @!p1 [tilespmem:s20], [sflag:$0x8], $0x80, s19, s18, $0xb8;
	[tilespmem:$0x1D800] =	vst v63  }
0xe6: {  	s16 =	sadd.s32 $0xFFFFFFFA, s15;
	_ =	swait.ge @!p1 [sflag:s17], $0x6400  }
0xe7: {  	p3 =	por p3, p1;
	p2 =	sge.u32 s16, s4;
	[sflag:s17] =	ssyncset.done @!p1 $0x0  }
0xe8: {  	s18 =	simm.s32 @!p3 $0x0;
	s19 =	simm.s32 @!p3 $0xC800;
	[sflag:s17] =	ssyncadd.s32 @!p1 $0xFFFF9C00  }
0xe9: {  	[tilespmem:s19], [sflag:$0x3] =	stream.linear.gather @!p3 [hbm4b:s25+s18], $0x6400, $0x38;
	[tilespmem:$0x1D800] =	vst v63  }
0xea: {  	s17 =	simm.s32 @!p3 $0x19200;
	s19 =	simm.s32 @!p2 $0x1  }
0xeb: {  	[tilespmem:s17], [sflag:$0x3] =	stream.linear.gather @!p3 [hbm4b:s12+s18], $0xC8, $0x38;
	[tilespmem:$0x1D800] =	vst v63  }
0xec: {  	_ =	swait.ge @!p2 [sflag:s19], $0x6400  }
0xed: {  	p3 =	seq.s32 @!p2 s15, $0x6;
	[sflag:s19] =	ssyncset.done @!p2 $0x0  }
0xee: {  	s20 =	simm.s32 @!p2 $0xC8;
	p1 =	por p3, p2;
	[sflag:s19] =	ssyncadd.s32 @!p2 $0xFFFF9C00  }
0xef: {  	s17 =	simm.s32 @!p2 $0x0;
	s12 =	sadd.s32 @!p1 $0xFFFFFFFD, s15;
	_ =	swait.ge @!p2 [sflag:s19], $0xC8  }
0xf0: {  	s18 =	simm.s32 @!p2 $0x19000;
	p4 =	sge.u32 @!p1 s12, s4;
	[sflag:s19] =	ssyncset.done @!p2 $0x0  }
0xf1: {  	s21 =	simm.s32 @!p1 $0x8;
	p3 =	por @!p2 p4, p3;
	[sflag:s19] =	ssyncadd.s32 @!p2 $0xFFFFFF38  }
0xf2: {  	[spmem:s2] =	stream.indirect.scatter.add.f32 @!p2 [tilespmem:s17], [sflag:$0x5], $0x80, s18, s20, $0xb8;
	[tilespmem:$0x1D800] =	vst v63  }
0xf3: {  	s24 =	sadd.s32 $0x64, s24;
	p3 =	por p3, p2;
	_ =	swait.ge @!p1 [sflag:s21], $0x6400  }
0xf4: {  	s19 =	simm.s32 @!p3 $0x12C00;
	s17 =	sadd.s32 @!p3 $0xFFFFDA80, s11;
	[sflag:s21] =	ssyncset.done @!p1 $0x0  }
0xf5: {  	s18 =	simm.s32 @!p3 $0x0;
	s22 =	rddreg [dreg:$0x5];
	[sflag:s21] =	ssyncadd.s32 @!p1 $0xFFFF9C00  }
0xf6: {  	[tilespmem:s19], [sflag:$0x4] =	stream.linear.gather @!p3 [hbm4b:s17+s18], $0x6400, $0x38;
	[tilespmem:$0x1D800] =	vst v63  }
0xf7: {  	p1 =	sge.u32 s16, s22;
	s17 =	sadd.s32 @!p3 $0xFFFFFFB5, s24;
	s19 =	simm.s32 @!p3 $0x19300  }
0xf8: {  	[tilespmem:s19], [sflag:$0x4] =	stream.linear.gather @!p3 [hbm4b:s17+s18], $0xC8, $0x38;
	[tilespmem:$0x1D800] =	vst v63  }
0xf9: {  	s17 =	simm.s32 @!p1 $0x2  }
0xfa: {  	_ =	swait.ge @!p1 [sflag:s17], $0x6400  }
0xfb: {  	[sflag:s17] =	ssyncset.done @!p1 $0x0  }
0xfc: {  	[sflag:s17] =	ssyncadd.s32 @!p1 $0xFFFF9C00  }
0xfd: {  	s20 =	simm.s32 @!p1 $0x19100;
	s18 =	sadd.s32 @!p1 $0xFFFFFFFE, s15;
	_ =	swait.ge @!p1 [sflag:s17], $0xC8  }
0xfe: {  	s19 =	simm.s32 @!p1 $0x5;
	p2 =	sge.u32 @!p1 s18, s4;
	[sflag:s17] =	ssyncset.done @!p1 $0x0  }
0xff: {  	s18 =	simm.s32 @!p1 $0x6400;
	[sflag:s17] =	ssyncadd.s32 @!p1 $0xFFFFFF38;
	s17 =	simm.s32 @!p1 $0xC8  }
0x100: {  	[spmem:s2] =	stream.indirect.scatter.add.f32 @!p1 [tilespmem:s18], [sflag:$0x6], $0x80, s20, s17, $0xb8;
	[tilespmem:$0x1D800] =	vst v63  }
0x101: {  	p2 =	por p2, p1;
	_ =	swait.ge @!p1 [sflag:s19], $0x6400  }
0x102: {  	s18 =	sadd.s32 @!p2 $0xFFFFE700, s11;
	[sflag:s19] =	ssyncset.done @!p1 $0x0;
	s22 =	rddreg [dreg:$0x6]  }
0x103: {  	[sflag:s19] =	ssyncadd.s32 @!p1 $0xFFFF9C00;
	s19 =	simm.s32 @!p2 $0x0;
	p1 =	sge.u32 s16, s22  }
0x104: {  	[tilespmem:s19], [sflag:$0x1] =	stream.linear.gather @!p2 [hbm4b:s18+s19], $0x6400, $0x38;
	[tilespmem:$0x1D800] =	vst v63  }
0x105: {  	s20 =	simm.s32 @!p2 $0x19000;
	s18 =	sadd.s32 @!p2 $0xFFFFFFCE, s24;
	s17 =	simm.s32 @!p1 $0x3  }
0x106: {  	[tilespmem:s20], [sflag:$0x1] =	stream.linear.gather @!p2 [hbm4b:s18+s19], $0xC8, $0x38;
	[tilespmem:$0x1D800] =	vst v63  }
0x107: {  	_ =	swait.ge @!p1 [sflag:s17], $0x6400  }
0x108: {  	[sflag:s17] =	ssyncset.done @!p1 $0x0  }
0x109: {  	s9 =	sadd.s32 $0x4, s9;
	[sflag:s17] =	ssyncadd.s32 @!p1 $0xFFFF9C00  }
0x10a: {  	s18 =	sadd.s32 @!p1 $0xFFFFFFFF, s15;
	s19 =	simm.s32 @!p1 $0x6;
	_ =	swait.ge @!p1 [sflag:s17], $0xC8  }
0x10b: {  	s20 =	simm.s32 @!p1 $0x19200;
	p2 =	sge.u32 @!p1 s18, s4;
	[sflag:s17] =	ssyncset.done @!p1 $0x0  }
0x10c: {  	s18 =	simm.s32 @!p1 $0xC800;
	[sflag:s17] =	ssyncadd.s32 @!p1 $0xFFFFFF38;
	s17 =	simm.s32 @!p1 $0xC8  }
0x10d: {  	[spmem:s2] =	stream.indirect.scatter.add.f32 @!p1 [tilespmem:s18], [sflag:$0x7], $0x80, s20, s17, $0xb8;
	[tilespmem:$0x1D800] =	vst v63  }
0x10e: {  	p0 =	sne.s32 s9, $0x16;
	p2 =	por p2, p1;
	_ =	swait.ge @!p1 [sflag:s19], $0x6400  }
0x10f: {  	s18 =	sadd.s32 @!p2 $0xFFFFF380, s11;
	s20 =	simm.s32 @!p2 $0x0;
	[sflag:s19] =	ssyncset.done @!p1 $0x0  }
0x110: {  	s17 =	rddreg [dreg:$0x7];
	[sflag:s19] =	ssyncadd.s32 @!p1 $0xFFFF9C00;
	s19 =	simm.s32 @!p2 $0x6400  }
0x111: {  	[tilespmem:s19], [sflag:$0x2] =	stream.linear.gather @!p2 [hbm4b:s18+s20], $0x6400, $0x38;
	[tilespmem:$0x1D800] =	vst v63  }
0x112: {  	s21 =	sadd.s32 @!p2 $0xFFFFFFE7, s24;
	s22 =	simm.s32 @!p2 $0x19100;
	p1 =	sge.u32 s16, s17  }
0x113: {  	[tilespmem:s22], [sflag:$0x2] =	stream.linear.gather @!p2 [hbm4b:s21+s20], $0xC8, $0x38;
	[tilespmem:$0x1D800] =	vst v63  }
.Ltmp0:
0x114: {  	s17 =	simm.s32 @!p1 $0x4;
	(pc) =	sbr.rel @p0 .LBB2_2-.Ltmp0, $4  }
0x115: {  	s25 =	smov.u32 s11;
	_ =	swait.ge @!p1 [sflag:s17], $0x6400  }
0x116: {  	s12 =	smov.u32 s24;
	s11 =	sadd.s32 $0x3200, s11;
	[sflag:s17] =	ssyncset.done @!p1 $0x0  }
0x117: {  	s18 =	simm.s32 @!p1 $0xC8;
	s19 =	simm.s32 @!p1 $0x19300;
	[sflag:s17] =	ssyncadd.s32 @!p1 $0xFFFF9C00  }
0x118: {  	p3 =	sge.u32 @!p1 s15, s4;
	s20 =	simm.s32 @!p1 $0x12C00;
	_ =	swait.ge @!p1 [sflag:s17], $0xC8  }
0x119: {  	[sflag:s17] =	ssyncset.done @!p1 $0x0  }
0x11a: {  	s9 =	simm.s32 @!p1 $0x7;
	[sflag:s17] =	ssyncadd.s32 @!p1 $0xFFFFFF38  }
0x11b: {  	[spmem:s2] =	stream.indirect.scatter.add.f32 @!p1 [tilespmem:s20], [sflag:$0x8], $0x80, s19, s18, $0xb8;
	[tilespmem:$0x1D800] =	vst v63  }
0x11c: {  	_ =	swait.ge @!p1 [sflag:s9], $0x6400  }
0x11d: {  	p0 =	por p3, p1;
	[sflag:s9] =	ssyncset.done @!p1 $0x0  }
0x11e: {  	s11 =	simm.s32 @!p0 $0x0;
	s15 =	simm.s32 @!p0 $0xC800;
	[sflag:s9] =	ssyncadd.s32 @!p1 $0xFFFF9C00  }
0x11f: {  	[tilespmem:s15], [sflag:$0x3] =	stream.linear.gather @!p0 [hbm4b:s25+s11], $0x6400, $0x38;
	[tilespmem:$0x1D800] =	vst v63  }
0x120: {  	s9 =	simm.s32 @!p0 $0x19200  }
0x121: {  	[tilespmem:s9], [sflag:$0x3] =	stream.linear.gather @!p0 [hbm4b:s12+s11], $0xC8, $0x38;
	[tilespmem:$0x1D800] =	vst v63  }
0x122: {  	_ =	swait.ge [sflag:s23], $0x6400  }
0x123: {  	[sflag:s23] =	ssyncset.done $0x0  }
0x124: {  	s21 =	stileid.u32;
	[sflag:s23] =	ssyncadd.s32 $0xFFFF9C00  }
0x125: {  	s9 =	sshll.u32 s21, $0x6;
	[bflag:$0x0] =	sbarrier.arrive $0xFFFF  }
0x126: {  	s22 =	sshrl.u32 s13, $0x3;
	s9 =	sor.u32 $0x1C09, s9;
	s24 =	rddreg [dreg:$0x10]  }
0x127: {  	[hbm:s24], [sflag:s9] =	dma.local [spmem:s22], $0x800  }
0x128: {  	_ =	swait.ge [sflag:s7], $0x800  }
0x129: {  	s8 =	sadd.s32 $0x1, s8;
	s25 =	rddreg [dreg:$0x11]  }
0x12a: {  	p0 =	sne.s32 s8, s25  }
.Ltmp1:
0x12b: {  	_ = 	snop;
	(pc) =	sbr.rel @p0 .LBB2_1-.Ltmp1, $3  }
0x12c: {  	_ =	sdelay $0x1  }
0x12d: {  	[sflag:s7] =	ssyncset.done $0x0  }
0x12e: {  	[sflag:s7] =	ssyncadd.s32 $0xFFFFF800  }
0x12f: {  	_ =	sfence.sel $0x180000  }
0x130: {  	[bflag:$0x0] =	sbarrier.arrive $0xFFFF  }
0x131: {  	_ =	strace $0x90000047  }
0x132: {  	s0 =	stileid.u32;
	[bflag:$0x2] =	sbarrier.arrive $0xFFFF  }
0x133: {  	p0 =	sne.s32 s0, $0x0;
	s0 =	rddreg [dreg:$0x4]  }
0x134: {  	s0 =	sadd.s32 @!p0 $0x100000, s0  }
0x135: {  	[sflag:s0] =	ssyncadd.tile.s32 @!p0 $0x1;
	_ =	shalt  }
.Lfunc_end2:
_tile_overlayer_lowered:
.L_overlay_start_2:
0x136: {  	(tag) =	ssettag $0x2  }
0x137: {  	s0 =	rddreg [dreg:$0x0];
	s2 =	stileid.u32  }
0x138: {  	s1 =	rddreg [dreg:$0x1];
	p0 =	sne.s32 s2, $0x0  }
0x139: {  	s3 =	rddreg [dreg:$0x2];
	[bflag:$0x3] =	sbarrier.arrive $0xFFFF;
	s2 =	simm.s32 @!p0 $0x1C09  }
0x13a: {  	[timem:s3], [sflag:s2] =	dma.local @!p0 [hbm:s0], s1  }
0x13b: {  	s0 =	simm.s32 @!p0 $0x9  }
0x13c: {  	_ =	swait.ge @!p0 [sflag:s0], s1  }
0x13d: {  	s1 =	ssub.s32 @!p0 $0x0, s1;
	[sflag:s0] =	ssyncset.done @!p0 $0x0  }
0x13e: {  	[sflag:s0] =	ssyncadd.s32 @!p0 s1  }
0x13f: {  	[bflag:$0x3] =	sbarrier.arrive $0xFFFF  }
0x140: {  	_ =	shalt  }

</sc_bundles>
